<compile_context>
chip_gen: v7x
topology: tpu7x:2x2x1
jax: 0.10.2.dev20260603
libtpu: 0.0.44.dev20260713+nightly
codegen_flags: <defaults>
</compile_context>

<pallas_src>
import functools

import jax
import jax.numpy as jnp
from jax.experimental import pallas as pl
from jax.experimental.pallas import tpu as pltpu
from jax.experimental.pallas import tpu_sc as plsc

H = 16
TOPK = 8
DH = 64


def _q_kernel(w_ref, x_ref, b_ref, qt_ref, scores_ref, *, wblk):
    i = pl.program_id(0)
    out = jax.lax.dot_general(
        w_ref[...], x_ref[...], (((1,), (1,)), ((), ())),
        preferred_element_type=jnp.float32) + b_ref[...]
    qt_ref[...] = out

    @pl.when(i == 0)
    def _():
        scores_ref[...] = jnp.zeros_like(scores_ref)

    sq = out * out
    rs = jnp.sum(sq, axis=1, keepdims=True)
    gidx = (i * wblk + jax.lax.broadcasted_iota(jnp.int32, (wblk, H), 0)
            ) // DH
    hidx = jax.lax.broadcasted_iota(jnp.int32, (wblk, H), 1)
    pool = (gidx == hidx).astype(jnp.float32)
    scores_ref[...] += jax.lax.dot_general(
        rs, pool, (((0,), (0,)), ((), ())),
        precision=jax.lax.Precision.HIGHEST,
        preferred_element_type=jnp.float32)


def _kv_kernel(w_ref, x_ref, b_ref, kvt_ref):
    kvt_ref[...] = jax.lax.dot_general(
        w_ref[...].astype(jnp.bfloat16), x_ref[...].astype(jnp.bfloat16),
        (((1,), (1,)), ((), ())),
        preferred_element_type=jnp.float32) + b_ref[...]


def _route_mask_sc(scores):
    mesh = plsc.ScalarSubcoreMesh(axis_name="c", num_cores=1)

    @pl.kernel(out_type=jax.ShapeDtypeStruct((1, H), jnp.int32), mesh=mesh,
               scratch_types=[pltpu.SMEM((H,), jnp.float32),
                              pltpu.SMEM((H,), jnp.int32),
                              pltpu.SemaphoreType.DMA])
    def body(s_hbm, m_hbm, s_smem, m_smem, sem):
        pltpu.async_copy(s_hbm.at[0], s_smem, sem).wait()
        for i in range(H):
            si = s_smem[i]
            acc = jnp.int32(0)
            for j in range(H):
                sj = s_smem[j]
                beats = (sj >= si) if j < i else (sj > si)
                acc = acc + beats.astype(jnp.int32)
            m_smem[i] = (acc < TOPK).astype(jnp.int32)
        pltpu.async_copy(m_smem, m_hbm.at[0], sem).wait()

    return body(scores)


def _attn_kernel(mask_ref, qt_ref, kt_ref, vt_ref, pwt_ref, pb_ref,
                 attn_ref, xout_ref, *, blk, n, c):
    h = pl.program_id(0)
    r = pl.program_id(1)
    sel = mask_ref[0, h] != 0
    rows = pl.ds(r * blk, blk)

    @pl.when(h == 0)
    def _init():
        xout_ref[rows, :] = jnp.broadcast_to(pb_ref[...], (blk, c))

    @pl.when(sel)
    def _compute():
        qt = qt_ref[...]
        kt = kt_ref[...]
        s = jax.lax.dot_general(
            qt.astype(jnp.bfloat16), kt.astype(jnp.bfloat16),
            (((0,), (0,)), ((), ())),
            preferred_element_type=jnp.float32)
        e = jnp.exp(s * jnp.float32(DH ** -0.5))
        denom = jnp.sum(e, axis=1, keepdims=True)
        recip = 1.0 / denom
        eb = e.astype(jnp.bfloat16)
        yp = jax.lax.dot_general(
            eb, vt_ref[...].astype(jnp.bfloat16),
            (((1,), (1,)), ((), ())),
            preferred_element_type=jnp.float32)
        attn_ref[0, 0] = eb.astype(jnp.float32) * recip
        xout_ref[rows, :] += jax.lax.dot_general(
            (yp * recip).astype(jnp.bfloat16),
            pwt_ref[...].astype(jnp.bfloat16), (((1,), (0,)), ((), ())),
            preferred_element_type=jnp.float32)

    @pl.when(jnp.logical_not(sel))
    def _zero():
        attn_ref[0, 0] = jnp.zeros((blk, n), jnp.float32)


def kernel(x, qkv_w, qkv_b, proj_w, proj_b):
    bsz, n, c = x.shape
    x2 = x.reshape(n, c)
    wblk = 512
    qt_arr, scores = pl.pallas_call(
        functools.partial(_q_kernel, wblk=wblk),
        grid=(c // wblk,),
        in_specs=[
            pl.BlockSpec((wblk, c), lambda i: (i, 0)),
            pl.BlockSpec((n, c), lambda i: (0, 0)),
            pl.BlockSpec((wblk, 1), lambda i: (i, 0)),
        ],
        out_specs=[
            pl.BlockSpec((wblk, n), lambda i: (i, 0)),
            pl.BlockSpec((1, H), lambda i: (0, 0)),
        ],
        out_shape=[
            jax.ShapeDtypeStruct((c, n), jnp.float32),
            jax.ShapeDtypeStruct((1, H), jnp.float32),
        ],
        compiler_params=pltpu.CompilerParams(
            dimension_semantics=("arbitrary",)),
    )(qkv_w[:c], x2, qkv_b[:c].reshape(c, 1))

    mask = _route_mask_sc(scores)

    kvt = pl.pallas_call(
        _kv_kernel,
        grid=(2 * c // wblk,),
        in_specs=[
            pl.BlockSpec((wblk, c), lambda i: (i, 0)),
            pl.BlockSpec((n, c), lambda i: (0, 0)),
            pl.BlockSpec((wblk, 1), lambda i: (i, 0)),
        ],
        out_specs=pl.BlockSpec((wblk, n), lambda i: (i, 0)),
        out_shape=jax.ShapeDtypeStruct((2 * c, n), jnp.float32),
        compiler_params=pltpu.CompilerParams(
            dimension_semantics=("arbitrary",)),
    )(qkv_w[c:], x2, qkv_b[c:].reshape(2 * c, 1))

    blk = 512
    attn4, xout = pl.pallas_call(
        functools.partial(_attn_kernel, blk=blk, n=n, c=c),
        grid=(H, n // blk),
        in_specs=[
            pl.BlockSpec(memory_space=pltpu.SMEM),
            pl.BlockSpec((DH, blk), lambda h, r: (h, r)),
            pl.BlockSpec((DH, n), lambda h, r: (h, 0)),
            pl.BlockSpec((DH, n), lambda h, r: (H + h, 0)),
            pl.BlockSpec((DH, c), lambda h, r: (h, 0)),
            pl.BlockSpec((1, c), lambda h, r: (0, 0)),
        ],
        out_specs=[
            pl.BlockSpec((1, 1, blk, n), lambda h, r: (0, h, r, 0)),
            pl.BlockSpec((n, c), lambda h, r: (0, 0)),
        ],
        out_shape=[
            jax.ShapeDtypeStruct((1, H, n, n), jnp.float32),
            jax.ShapeDtypeStruct((n, c), jnp.float32),
        ],
        compiler_params=pltpu.CompilerParams(
            dimension_semantics=("arbitrary", "arbitrary")),
    )(mask, qt_arr, kvt, kvt, proj_w.T, proj_b.reshape(1, c))

    return (xout.reshape(bsz, n, c), attn4)

# --- scband reference (transcript-rebuilt; emitter-appended) ---
"""Pipeline reference for scband-mo-hattention-22445499089593 (READ-ONLY COPY).

The authoritative reference and input builder live on the scoring server;
editing this copy changes nothing except your own understanding.
"""

import jax, jax.numpy as jnp
import numpy as np

B, N, C, H, TOPK = 1, 2048, 1024, 16, 8

def setup_inputs(seed: int = 0) -> dict:
    key = jax.random.key(seed)
    ks = jax.random.split(key, 5)
    x = jax.random.normal(ks[0], (B, N, C), dtype=jnp.float32)
    qkv_w = jax.random.normal(ks[1], (3 * C, C), dtype=jnp.float32) * 0.02
    qkv_b = jnp.zeros((3 * C,), dtype=jnp.float32)
    proj_w = jax.random.normal(ks[2], (C, C), dtype=jnp.float32) * 0.02
    proj_b = jnp.zeros((C,), dtype=jnp.float32)
    return {"x": x, "qkv_w": qkv_w, "qkv_b": qkv_b, "proj_w": proj_w, "proj_b": proj_b}

def reference(x, qkv_w, qkv_b, proj_w, proj_b):
    Bx, Nx, Cx = x.shape
    Dh = Cx // H
    scale = Dh ** -0.5
    qkv = (x @ qkv_w.T + qkv_b).reshape(Bx, Nx, 3, H, Dh).transpose(2, 0, 3, 1, 4)
    q, k, v = qkv[0], qkv[1], qkv[2]
    # heuristic head routing: per-head query energy -> top-k heads
    scores = jnp.mean(q.astype(jnp.float32) ** 2, axis=(0, 2, 3))
    _, idx = jax.lax.top_k(scores, TOPK)
    idx = jnp.sort(idx)
    q_s = jnp.take(q, idx, axis=1)
    k_s = jnp.take(k, idx, axis=1)
    v_s = jnp.take(v, idx, axis=1)
    attn = (q_s @ jnp.swapaxes(k_s, -2, -1)) * scale
    attn = jax.nn.softmax(attn, axis=-1)
    y_s = attn @ v_s
    y_full = jnp.zeros((Bx, H, Nx, Dh), dtype=x.dtype).at[:, idx, :, :].set(y_s)
    x_out = y_full.transpose(0, 2, 1, 3).reshape(Bx, Nx, Cx)
    x_out = x_out @ proj_w.T + proj_b
    attn_full = jnp.zeros((Bx, H, Nx, Nx), dtype=x.dtype).at[:, idx, :, :].set(attn)
    return (x_out, attn_full)

if __name__ == "__main__":
    import jax
    _d = setup_inputs()
    print(jax.jit(kernel)(*tuple(_d.values())))

</pallas_src>

<mosaic_0001>
#map = affine_map<(d0) -> (0, 0)>
module attributes {stable_mosaic.version = 14 : i64} {
  func.func @body(%arg0: i32, %arg1: memref<1x16xf32, #tpu.memory_space<hbm>>, %arg2: memref<1x16xi32, #tpu.memory_space<hbm>>, %arg3: memref<16xf32, #tpu.memory_space<smem>>, %arg4: memref<16xi32, #tpu.memory_space<smem>>, %arg5: memref<!tpu.dma_semaphore, #tpu.memory_space<semaphore_mem>>) attributes {dimension_semantics = [#tpu.dimension_semantics<core_parallel>], iteration_bounds = array<i64: 1>, scalar_prefetch = 0 : i64, scratch_operands = 3 : i64, tpu.core_type = #tpu.core_type<sc_scalar_subcore>, window_params = [{transform_indices = #map}, {transform_indices = #map}]} {
    %dma_start3A = arith.constant 0 : i32
    %dma_start3A_0 = arith.constant 0 : i32
    %dma_start3A_1 = tpu.memref_slice %arg1[%dma_start3A, %dma_start3A_0] : memref<1x16xf32, #tpu.memory_space<hbm>> -> memref<1x16xf32, #tpu.memory_space<hbm>>
    %dma_start3A_2 = tpu.memref_squeeze %dma_start3A_1 : memref<1x16xf32, #tpu.memory_space<hbm>> -> memref<16xf32, #tpu.memory_space<hbm>>
    tpu.enqueue_dma source(%dma_start3A_2 : memref<16xf32, #tpu.memory_space<hbm>>) target(%arg3 : memref<16xf32, #tpu.memory_space<smem>>) target_semaphore(%arg5 : memref<!tpu.dma_semaphore, #tpu.memory_space<semaphore_mem>>)
    %dma_wait3A = arith.constant 0 : i32
    %dma_wait3A_3 = arith.constant 0 : i32
    %dma_wait3A_4 = tpu.memref_slice %arg1[%dma_wait3A, %dma_wait3A_3] : memref<1x16xf32, #tpu.memory_space<hbm>> -> memref<1x16xf32, #tpu.memory_space<hbm>>
    %dma_wait3A_5 = tpu.memref_squeeze %dma_wait3A_4 : memref<1x16xf32, #tpu.memory_space<hbm>> -> memref<16xf32, #tpu.memory_space<hbm>>
    tpu.wait_dma2 semaphore(%arg5 : memref<!tpu.dma_semaphore, #tpu.memory_space<semaphore_mem>>) src(%dma_wait3A_5 : memref<16xf32, #tpu.memory_space<hbm>>) dst(%arg3 : memref<16xf32, #tpu.memory_space<smem>>)
    %get3A = arith.constant 0 : i32
    %get3A_6 = arith.index_cast %get3A : i32 to index
    %get3A_7 = memref.load %arg3[%get3A_6] : memref<16xf32, #tpu.memory_space<smem>>
    %get3A_8 = arith.constant 0 : i32
    %get3A_9 = arith.index_cast %get3A_8 : i32 to index
    %get3A_10 = memref.load %arg3[%get3A_9] : memref<16xf32, #tpu.memory_space<smem>>
    %gt3A = arith.cmpf ogt, %get3A_10, %get3A_7 : f32
    %convert_element_type3A = arith.extui %gt3A : i1 to i32
    %add3A = arith.constant 0 : i32
    %add3A_11 = arith.addi %add3A, %convert_element_type3A : i32
    %get3A_12 = arith.constant 1 : i32
    %get3A_13 = arith.index_cast %get3A_12 : i32 to index
    %get3A_14 = memref.load %arg3[%get3A_13] : memref<16xf32, #tpu.memory_space<smem>>
    %gt3A_15 = arith.cmpf ogt, %get3A_14, %get3A_7 : f32
    %convert_element_type3A_16 = arith.extui %gt3A_15 : i1 to i32
    %add3A_17 = arith.addi %add3A_11, %convert_element_type3A_16 : i32
    %get3A_18 = arith.constant 2 : i32
    %get3A_19 = arith.index_cast %get3A_18 : i32 to index
    %get3A_20 = memref.load %arg3[%get3A_19] : memref<16xf32, #tpu.memory_space<smem>>
    %gt3A_21 = arith.cmpf ogt, %get3A_20, %get3A_7 : f32
    %convert_element_type3A_22 = arith.extui %gt3A_21 : i1 to i32
    %add3A_23 = arith.addi %add3A_17, %convert_element_type3A_22 : i32
    %get3A_24 = arith.constant 3 : i32
    %get3A_25 = arith.index_cast %get3A_24 : i32 to index
    %get3A_26 = memref.load %arg3[%get3A_25] : memref<16xf32, #tpu.memory_space<smem>>
    %gt3A_27 = arith.cmpf ogt, %get3A_26, %get3A_7 : f32
    %convert_element_type3A_28 = arith.extui %gt3A_27 : i1 to i32
    %add3A_29 = arith.addi %add3A_23, %convert_element_type3A_28 : i32
    %get3A_30 = arith.constant 4 : i32
    %get3A_31 = arith.index_cast %get3A_30 : i32 to index
    %get3A_32 = memref.load %arg3[%get3A_31] : memref<16xf32, #tpu.memory_space<smem>>
    %gt3A_33 = arith.cmpf ogt, %get3A_32, %get3A_7 : f32
    %convert_element_type3A_34 = arith.extui %gt3A_33 : i1 to i32
    %add3A_35 = arith.addi %add3A_29, %convert_element_type3A_34 : i32
    %get3A_36 = arith.constant 5 : i32
    %get3A_37 = arith.index_cast %get3A_36 : i32 to index
    %get3A_38 = memref.load %arg3[%get3A_37] : memref<16xf32, #tpu.memory_space<smem>>
    %gt3A_39 = arith.cmpf ogt, %get3A_38, %get3A_7 : f32
    %convert_element_type3A_40 = arith.extui %gt3A_39 : i1 to i32
    %add3A_41 = arith.addi %add3A_35, %convert_element_type3A_40 : i32
    %get3A_42 = arith.constant 6 : i32
    %get3A_43 = arith.index_cast %get3A_42 : i32 to index
    %get3A_44 = memref.load %arg3[%get3A_43] : memref<16xf32, #tpu.memory_space<smem>>
    %gt3A_45 = arith.cmpf ogt, %get3A_44, %get3A_7 : f32
    %convert_element_type3A_46 = arith.extui %gt3A_45 : i1 to i32
    %add3A_47 = arith.addi %add3A_41, %convert_element_type3A_46 : i32
    %get3A_48 = arith.constant 7 : i32
    %get3A_49 = arith.index_cast %get3A_48 : i32 to index
    %get3A_50 = memref.load %arg3[%get3A_49] : memref<16xf32, #tpu.memory_space<smem>>
    %gt3A_51 = arith.cmpf ogt, %get3A_50, %get3A_7 : f32
    %convert_element_type3A_52 = arith.extui %gt3A_51 : i1 to i32
    %add3A_53 = arith.addi %add3A_47, %convert_element_type3A_52 : i32
    %get3A_54 = arith.constant 8 : i32
    %get3A_55 = arith.index_cast %get3A_54 : i32 to index
    %get3A_56 = memref.load %arg3[%get3A_55] : memref<16xf32, #tpu.memory_space<smem>>
    %gt3A_57 = arith.cmpf ogt, %get3A_56, %get3A_7 : f32
    %convert_element_type3A_58 = arith.extui %gt3A_57 : i1 to i32
    %add3A_59 = arith.addi %add3A_53, %convert_element_type3A_58 : i32
    %get3A_60 = arith.constant 9 : i32
    %get3A_61 = arith.index_cast %get3A_60 : i32 to index
    %get3A_62 = memref.load %arg3[%get3A_61] : memref<16xf32, #tpu.memory_space<smem>>
    %gt3A_63 = arith.cmpf ogt, %get3A_62, %get3A_7 : f32
    %convert_element_type3A_64 = arith.extui %gt3A_63 : i1 to i32
    %add3A_65 = arith.addi %add3A_59, %convert_element_type3A_64 : i32
    %get3A_66 = arith.constant 10 : i32
    %get3A_67 = arith.index_cast %get3A_66 : i32 to index
    %get3A_68 = memref.load %arg3[%get3A_67] : memref<16xf32, #tpu.memory_space<smem>>
    %gt3A_69 = arith.cmpf ogt, %get3A_68, %get3A_7 : f32
    %convert_element_type3A_70 = arith.extui %gt3A_69 : i1 to i32
    %add3A_71 = arith.addi %add3A_65, %convert_element_type3A_70 : i32
    %get3A_72 = arith.constant 11 : i32
    %get3A_73 = arith.index_cast %get3A_72 : i32 to index
    %get3A_74 = memref.load %arg3[%get3A_73] : memref<16xf32, #tpu.memory_space<smem>>
    %gt3A_75 = arith.cmpf ogt, %get3A_74, %get3A_7 : f32
    %convert_element_type3A_76 = arith.extui %gt3A_75 : i1 to i32
    %add3A_77 = arith.addi %add3A_71, %convert_element_type3A_76 : i32
    %get3A_78 = arith.constant 12 : i32
    %get3A_79 = arith.index_cast %get3A_78 : i32 to index
    %get3A_80 = memref.load %arg3[%get3A_79] : memref<16xf32, #tpu.memory_space<smem>>
    %gt3A_81 = arith.cmpf ogt, %get3A_80, %get3A_7 : f32
    %convert_element_type3A_82 = arith.extui %gt3A_81 : i1 to i32
    %add3A_83 = arith.addi %add3A_77, %convert_element_type3A_82 : i32
    %get3A_84 = arith.constant 13 : i32
    %get3A_85 = arith.index_cast %get3A_84 : i32 to index
    %get3A_86 = memref.load %arg3[%get3A_85] : memref<16xf32, #tpu.memory_space<smem>>
    %gt3A_87 = arith.cmpf ogt, %get3A_86, %get3A_7 : f32
    %convert_element_type3A_88 = arith.extui %gt3A_87 : i1 to i32
    %add3A_89 = arith.addi %add3A_83, %convert_element_type3A_88 : i32
    %get3A_90 = arith.constant 14 : i32
    %get3A_91 = arith.index_cast %get3A_90 : i32 to index
    %get3A_92 = memref.load %arg3[%get3A_91] : memref<16xf32, #tpu.memory_space<smem>>
    %gt3A_93 = arith.cmpf ogt, %get3A_92, %get3A_7 : f32
    %convert_element_type3A_94 = arith.extui %gt3A_93 : i1 to i32
    %add3A_95 = arith.addi %add3A_89, %convert_element_type3A_94 : i32
    %get3A_96 = arith.constant 15 : i32
    %get3A_97 = arith.index_cast %get3A_96 : i32 to index
    %get3A_98 = memref.load %arg3[%get3A_97] : memref<16xf32, #tpu.memory_space<smem>>
    %gt3A_99 = arith.cmpf ogt, %get3A_98, %get3A_7 : f32
    %convert_element_type3A_100 = arith.extui %gt3A_99 : i1 to i32
    %add3A_101 = arith.addi %add3A_95, %convert_element_type3A_100 : i32
    %lt3A = arith.constant 8 : i32
    %lt3A_102 = arith.cmpi slt, %add3A_101, %lt3A : i32
    %convert_element_type3A_103 = arith.extui %lt3A_102 : i1 to i32
    %swap3A = arith.constant 0 : i32
    %swap3A_104 = arith.index_cast %swap3A : i32 to index
    %swap3A_105 = memref.load %arg4[%swap3A_104] : memref<16xi32, #tpu.memory_space<smem>>
    memref.store %convert_element_type3A_103, %arg4[%swap3A_104] : memref<16xi32, #tpu.memory_space<smem>>
    %get3A_106 = arith.constant 1 : i32
    %get3A_107 = arith.index_cast %get3A_106 : i32 to index
    %get3A_108 = memref.load %arg3[%get3A_107] : memref<16xf32, #tpu.memory_space<smem>>
    %get3A_109 = arith.constant 0 : i32
    %get3A_110 = arith.index_cast %get3A_109 : i32 to index
    %get3A_111 = memref.load %arg3[%get3A_110] : memref<16xf32, #tpu.memory_space<smem>>
    %ge3A = arith.cmpf oge, %get3A_111, %get3A_108 : f32
    %convert_element_type3A_112 = arith.extui %ge3A : i1 to i32
    %add3A_113 = arith.constant 0 : i32
    %add3A_114 = arith.addi %add3A_113, %convert_element_type3A_112 : i32
    %get3A_115 = arith.constant 1 : i32
    %get3A_116 = arith.index_cast %get3A_115 : i32 to index
    %get3A_117 = memref.load %arg3[%get3A_116] : memref<16xf32, #tpu.memory_space<smem>>
    %gt3A_118 = arith.cmpf ogt, %get3A_117, %get3A_108 : f32
    %convert_element_type3A_119 = arith.extui %gt3A_118 : i1 to i32
    %add3A_120 = arith.addi %add3A_114, %convert_element_type3A_119 : i32
    %get3A_121 = arith.constant 2 : i32
    %get3A_122 = arith.index_cast %get3A_121 : i32 to index
    %get3A_123 = memref.load %arg3[%get3A_122] : memref<16xf32, #tpu.memory_space<smem>>
    %gt3A_124 = arith.cmpf ogt, %get3A_123, %get3A_108 : f32
    %convert_element_type3A_125 = arith.extui %gt3A_124 : i1 to i32
    %add3A_126 = arith.addi %add3A_120, %convert_element_type3A_125 : i32
    %get3A_127 = arith.constant 3 : i32
    %get3A_128 = arith.index_cast %get3A_127 : i32 to index
    %get3A_129 = memref.load %arg3[%get3A_128] : memref<16xf32, #tpu.memory_space<smem>>
    %gt3A_130 = arith.cmpf ogt, %get3A_129, %get3A_108 : f32
    %convert_element_type3A_131 = arith.extui %gt3A_130 : i1 to i32
    %add3A_132 = arith.addi %add3A_126, %convert_element_type3A_131 : i32
    %get3A_133 = arith.constant 4 : i32
    %get3A_134 = arith.index_cast %get3A_133 : i32 to index
    %get3A_135 = memref.load %arg3[%get3A_134] : memref<16xf32, #tpu.memory_space<smem>>
    %gt3A_136 = arith.cmpf ogt, %get3A_135, %get3A_108 : f32
    %convert_element_type3A_137 = arith.extui %gt3A_136 : i1 to i32
    %add3A_138 = arith.addi %add3A_132, %convert_element_type3A_137 : i32
    %get3A_139 = arith.constant 5 : i32
    %get3A_140 = arith.index_cast %get3A_139 : i32 to index
    %get3A_141 = memref.load %arg3[%get3A_140] : memref<16xf32, #tpu.memory_space<smem>>
    %gt3A_142 = arith.cmpf ogt, %get3A_141, %get3A_108 : f32
    %convert_element_type3A_143 = arith.extui %gt3A_142 : i1 to i32
    %add3A_144 = arith.addi %add3A_138, %convert_element_type3A_143 : i32
    %get3A_145 = arith.constant 6 : i32
    %get3A_146 = arith.index_cast %get3A_145 : i32 to index
    %get3A_147 = memref.load %arg3[%get3A_146] : memref<16xf32, #tpu.memory_space<smem>>
    %gt3A_148 = arith.cmpf ogt, %get3A_147, %get3A_108 : f32
    %convert_element_type3A_149 = arith.extui %gt3A_148 : i1 to i32
    %add3A_150 = arith.addi %add3A_144, %convert_element_type3A_149 : i32
    %get3A_151 = arith.constant 7 : i32
    %get3A_152 = arith.index_cast %get3A_151 : i32 to index
    %get3A_153 = memref.load %arg3[%get3A_152] : memref<16xf32, #tpu.memory_space<smem>>
    %gt3A_154 = arith.cmpf ogt, %get3A_153, %get3A_108 : f32
    %convert_element_type3A_155 = arith.extui %gt3A_154 : i1 to i32
    %add3A_156 = arith.addi %add3A_150, %convert_element_type3A_155 : i32
    %get3A_157 = arith.constant 8 : i32
    %get3A_158 = arith.index_cast %get3A_157 : i32 to index
    %get3A_159 = memref.load %arg3[%get3A_158] : memref<16xf32, #tpu.memory_space<smem>>
    %gt3A_160 = arith.cmpf ogt, %get3A_159, %get3A_108 : f32
    %convert_element_type3A_161 = arith.extui %gt3A_160 : i1 to i32
    %add3A_162 = arith.addi %add3A_156, %convert_element_type3A_161 : i32
    %get3A_163 = arith.constant 9 : i32
    %get3A_164 = arith.index_cast %get3A_163 : i32 to index
    %get3A_165 = memref.load %arg3[%get3A_164] : memref<16xf32, #tpu.memory_space<smem>>
    %gt3A_166 = arith.cmpf ogt, %get3A_165, %get3A_108 : f32
    %convert_element_type3A_167 = arith.extui %gt3A_166 : i1 to i32
    %add3A_168 = arith.addi %add3A_162, %convert_element_type3A_167 : i32
    %get3A_169 = arith.constant 10 : i32
    %get3A_170 = arith.index_cast %get3A_169 : i32 to index
    %get3A_171 = memref.load %arg3[%get3A_170] : memref<16xf32, #tpu.memory_space<smem>>
    %gt3A_172 = arith.cmpf ogt, %get3A_171, %get3A_108 : f32
    %convert_element_type3A_173 = arith.extui %gt3A_172 : i1 to i32
    %add3A_174 = arith.addi %add3A_168, %convert_element_type3A_173 : i32
    %get3A_175 = arith.constant 11 : i32
    %get3A_176 = arith.index_cast %get3A_175 : i32 to index
    %get3A_177 = memref.load %arg3[%get3A_176] : memref<16xf32, #tpu.memory_space<smem>>
    %gt3A_178 = arith.cmpf ogt, %get3A_177, %get3A_108 : f32
    %convert_element_type3A_179 = arith.extui %gt3A_178 : i1 to i32
    %add3A_180 = arith.addi %add3A_174, %convert_element_type3A_179 : i32
    %get3A_181 = arith.constant 12 : i32
    %get3A_182 = arith.index_cast %get3A_181 : i32 to index
    %get3A_183 = memref.load %arg3[%get3A_182] : memref<16xf32, #tpu.memory_space<smem>>
    %gt3A_184 = arith.cmpf ogt, %get3A_183, %get3A_108 : f32
    %convert_element_type3A_185 = arith.extui %gt3A_184 : i1 to i32
    %add3A_186 = arith.addi %add3A_180, %convert_element_type3A_185 : i32
    %get3A_187 = arith.constant 13 : i32
    %get3A_188 = arith.index_cast %get3A_187 : i32 to index
    %get3A_189 = memref.load %arg3[%get3A_188] : memref<16xf32, #tpu.memory_space<smem>>
    %gt3A_190 = arith.cmpf ogt, %get3A_189, %get3A_108 : f32
    %convert_element_type3A_191 = arith.extui %gt3A_190 : i1 to i32
    %add3A_192 = arith.addi %add3A_186, %convert_element_type3A_191 : i32
    %get3A_193 = arith.constant 14 : i32
    %get3A_194 = arith.index_cast %get3A_193 : i32 to index
    %get3A_195 = memref.load %arg3[%get3A_194] : memref<16xf32, #tpu.memory_space<smem>>
    %gt3A_196 = arith.cmpf ogt, %get3A_195, %get3A_108 : f32
    %convert_element_type3A_197 = arith.extui %gt3A_196 : i1 to i32
    %add3A_198 = arith.addi %add3A_192, %convert_element_type3A_197 : i32
    %get3A_199 = arith.constant 15 : i32
    %get3A_200 = arith.index_cast %get3A_199 : i32 to index
    %get3A_201 = memref.load %arg3[%get3A_200] : memref<16xf32, #tpu.memory_space<smem>>
    %gt3A_202 = arith.cmpf ogt, %get3A_201, %get3A_108 : f32
    %convert_element_type3A_203 = arith.extui %gt3A_202 : i1 to i32
    %add3A_204 = arith.addi %add3A_198, %convert_element_type3A_203 : i32
    %lt3A_205 = arith.constant 8 : i32
    %lt3A_206 = arith.cmpi slt, %add3A_204, %lt3A_205 : i32
    %convert_element_type3A_207 = arith.extui %lt3A_206 : i1 to i32
    %swap3A_208 = arith.constant 1 : i32
    %swap3A_209 = arith.index_cast %swap3A_208 : i32 to index
    %swap3A_210 = memref.load %arg4[%swap3A_209] : memref<16xi32, #tpu.memory_space<smem>>
    memref.store %convert_element_type3A_207, %arg4[%swap3A_209] : memref<16xi32, #tpu.memory_space<smem>>
    %get3A_211 = arith.constant 2 : i32
    %get3A_212 = arith.index_cast %get3A_211 : i32 to index
    %get3A_213 = memref.load %arg3[%get3A_212] : memref<16xf32, #tpu.memory_space<smem>>
    %get3A_214 = arith.constant 0 : i32
    %get3A_215 = arith.index_cast %get3A_214 : i32 to index
    %get3A_216 = memref.load %arg3[%get3A_215] : memref<16xf32, #tpu.memory_space<smem>>
    %ge3A_217 = arith.cmpf oge, %get3A_216, %get3A_213 : f32
    %convert_element_type3A_218 = arith.extui %ge3A_217 : i1 to i32
    %add3A_219 = arith.constant 0 : i32
    %add3A_220 = arith.addi %add3A_219, %convert_element_type3A_218 : i32
    %get3A_221 = arith.constant 1 : i32
    %get3A_222 = arith.index_cast %get3A_221 : i32 to index
    %get3A_223 = memref.load %arg3[%get3A_222] : memref<16xf32, #tpu.memory_space<smem>>
    %ge3A_224 = arith.cmpf oge, %get3A_223, %get3A_213 : f32
    %convert_element_type3A_225 = arith.extui %ge3A_224 : i1 to i32
    %add3A_226 = arith.addi %add3A_220, %convert_element_type3A_225 : i32
    %get3A_227 = arith.constant 2 : i32
    %get3A_228 = arith.index_cast %get3A_227 : i32 to index
    %get3A_229 = memref.load %arg3[%get3A_228] : memref<16xf32, #tpu.memory_space<smem>>
    %gt3A_230 = arith.cmpf ogt, %get3A_229, %get3A_213 : f32
    %convert_element_type3A_231 = arith.extui %gt3A_230 : i1 to i32
    %add3A_232 = arith.addi %add3A_226, %convert_element_type3A_231 : i32
    %get3A_233 = arith.constant 3 : i32
    %get3A_234 = arith.index_cast %get3A_233 : i32 to index
    %get3A_235 = memref.load %arg3[%get3A_234] : memref<16xf32, #tpu.memory_space<smem>>
    %gt3A_236 = arith.cmpf ogt, %get3A_235, %get3A_213 : f32
    %convert_element_type3A_237 = arith.extui %gt3A_236 : i1 to i32
    %add3A_238 = arith.addi %add3A_232, %convert_element_type3A_237 : i32
    %get3A_239 = arith.constant 4 : i32
    %get3A_240 = arith.index_cast %get3A_239 : i32 to index
    %get3A_241 = memref.load %arg3[%get3A_240] : memref<16xf32, #tpu.memory_space<smem>>
    %gt3A_242 = arith.cmpf ogt, %get3A_241, %get3A_213 : f32
    %convert_element_type3A_243 = arith.extui %gt3A_242 : i1 to i32
    %add3A_244 = arith.addi %add3A_238, %convert_element_type3A_243 : i32
    %get3A_245 = arith.constant 5 : i32
    %get3A_246 = arith.index_cast %get3A_245 : i32 to index
    %get3A_247 = memref.load %arg3[%get3A_246] : memref<16xf32, #tpu.memory_space<smem>>
    %gt3A_248 = arith.cmpf ogt, %get3A_247, %get3A_213 : f32
    %convert_element_type3A_249 = arith.extui %gt3A_248 : i1 to i32
    %add3A_250 = arith.addi %add3A_244, %convert_element_type3A_249 : i32
    %get3A_251 = arith.constant 6 : i32
    %get3A_252 = arith.index_cast %get3A_251 : i32 to index
    %get3A_253 = memref.load %arg3[%get3A_252] : memref<16xf32, #tpu.memory_space<smem>>
    %gt3A_254 = arith.cmpf ogt, %get3A_253, %get3A_213 : f32
    %convert_element_type3A_255 = arith.extui %gt3A_254 : i1 to i32
    %add3A_256 = arith.addi %add3A_250, %convert_element_type3A_255 : i32
    %get3A_257 = arith.constant 7 : i32
    %get3A_258 = arith.index_cast %get3A_257 : i32 to index
    %get3A_259 = memref.load %arg3[%get3A_258] : memref<16xf32, #tpu.memory_space<smem>>
    %gt3A_260 = arith.cmpf ogt, %get3A_259, %get3A_213 : f32
    %convert_element_type3A_261 = arith.extui %gt3A_260 : i1 to i32
    %add3A_262 = arith.addi %add3A_256, %convert_element_type3A_261 : i32
    %get3A_263 = arith.constant 8 : i32
    %get3A_264 = arith.index_cast %get3A_263 : i32 to index
    %get3A_265 = memref.load %arg3[%get3A_264] : memref<16xf32, #tpu.memory_space<smem>>
    %gt3A_266 = arith.cmpf ogt, %get3A_265, %get3A_213 : f32
    %convert_element_type3A_267 = arith.extui %gt3A_266 : i1 to i32
    %add3A_268 = arith.addi %add3A_262, %convert_element_type3A_267 : i32
    %get3A_269 = arith.constant 9 : i32
    %get3A_270 = arith.index_cast %get3A_269 : i32 to index
    %get3A_271 = memref.load %arg3[%get3A_270] : memref<16xf32, #tpu.memory_space<smem>>
    %gt3A_272 = arith.cmpf ogt, %get3A_271, %get3A_213 : f32
    %convert_element_type3A_273 = arith.extui %gt3A_272 : i1 to i32
    %add3A_274 = arith.addi %add3A_268, %convert_element_type3A_273 : i32
    %get3A_275 = arith.constant 10 : i32
    %get3A_276 = arith.index_cast %get3A_275 : i32 to index
    %get3A_277 = memref.load %arg3[%get3A_276] : memref<16xf32, #tpu.memory_space<smem>>
    %gt3A_278 = arith.cmpf ogt, %get3A_277, %get3A_213 : f32
    %convert_element_type3A_279 = arith.extui %gt3A_278 : i1 to i32
    %add3A_280 = arith.addi %add3A_274, %convert_element_type3A_279 : i32
    %get3A_281 = arith.constant 11 : i32
    %get3A_282 = arith.index_cast %get3A_281 : i32 to index
    %get3A_283 = memref.load %arg3[%get3A_282] : memref<16xf32, #tpu.memory_space<smem>>
    %gt3A_284 = arith.cmpf ogt, %get3A_283, %get3A_213 : f32
    %convert_element_type3A_285 = arith.extui %gt3A_284 : i1 to i32
    %add3A_286 = arith.addi %add3A_280, %convert_element_type3A_285 : i32
    %get3A_287 = arith.constant 12 : i32
    %get3A_288 = arith.index_cast %get3A_287 : i32 to index
    %get3A_289 = memref.load %arg3[%get3A_288] : memref<16xf32, #tpu.memory_space<smem>>
    %gt3A_290 = arith.cmpf ogt, %get3A_289, %get3A_213 : f32
    %convert_element_type3A_291 = arith.extui %gt3A_290 : i1 to i32
    %add3A_292 = arith.addi %add3A_286, %convert_element_type3A_291 : i32
    %get3A_293 = arith.constant 13 : i32
    %get3A_294 = arith.index_cast %get3A_293 : i32 to index
    %get3A_295 = memref.load %arg3[%get3A_294] : memref<16xf32, #tpu.memory_space<smem>>
    %gt3A_296 = arith.cmpf ogt, %get3A_295, %get3A_213 : f32
    %convert_element_type3A_297 = arith.extui %gt3A_296 : i1 to i32
    %add3A_298 = arith.addi %add3A_292, %convert_element_type3A_297 : i32
    %get3A_299 = arith.constant 14 : i32
    %get3A_300 = arith.index_cast %get3A_299 : i32 to index
    %get3A_301 = memref.load %arg3[%get3A_300] : memref<16xf32, #tpu.memory_space<smem>>
    %gt3A_302 = arith.cmpf ogt, %get3A_301, %get3A_213 : f32
    %convert_element_type3A_303 = arith.extui %gt3A_302 : i1 to i32
    %add3A_304 = arith.addi %add3A_298, %convert_element_type3A_303 : i32
    %get3A_305 = arith.constant 15 : i32
    %get3A_306 = arith.index_cast %get3A_305 : i32 to index
    %get3A_307 = memref.load %arg3[%get3A_306] : memref<16xf32, #tpu.memory_space<smem>>
    %gt3A_308 = arith.cmpf ogt, %get3A_307, %get3A_213 : f32
    %convert_element_type3A_309 = arith.extui %gt3A_308 : i1 to i32
    %add3A_310 = arith.addi %add3A_304, %convert_element_type3A_309 : i32
    %lt3A_311 = arith.constant 8 : i32
    %lt3A_312 = arith.cmpi slt, %add3A_310, %lt3A_311 : i32
    %convert_element_type3A_313 = arith.extui %lt3A_312 : i1 to i32
    %swap3A_314 = arith.constant 2 : i32
    %swap3A_315 = arith.index_cast %swap3A_314 : i32 to index
    %swap3A_316 = memref.load %arg4[%swap3A_315] : memref<16xi32, #tpu.memory_space<smem>>
    memref.store %convert_element_type3A_313, %arg4[%swap3A_315] : memref<16xi32, #tpu.memory_space<smem>>
    %get3A_317 = arith.constant 3 : i32
    %get3A_318 = arith.index_cast %get3A_317 : i32 to index
    %get3A_319 = memref.load %arg3[%get3A_318] : memref<16xf32, #tpu.memory_space<smem>>
    %get3A_320 = arith.constant 0 : i32
    %get3A_321 = arith.index_cast %get3A_320 : i32 to index
    %get3A_322 = memref.load %arg3[%get3A_321] : memref<16xf32, #tpu.memory_space<smem>>
    %ge3A_323 = arith.cmpf oge, %get3A_322, %get3A_319 : f32
    %convert_element_type3A_324 = arith.extui %ge3A_323 : i1 to i32
    %add3A_325 = arith.constant 0 : i32
    %add3A_326 = arith.addi %add3A_325, %convert_element_type3A_324 : i32
    %get3A_327 = arith.constant 1 : i32
    %get3A_328 = arith.index_cast %get3A_327 : i32 to index
    %get3A_329 = memref.load %arg3[%get3A_328] : memref<16xf32, #tpu.memory_space<smem>>
    %ge3A_330 = arith.cmpf oge, %get3A_329, %get3A_319 : f32
    %convert_element_type3A_331 = arith.extui %ge3A_330 : i1 to i32
    %add3A_332 = arith.addi %add3A_326, %convert_element_type3A_331 : i32
    %get3A_333 = arith.constant 2 : i32
    %get3A_334 = arith.index_cast %get3A_333 : i32 to index
    %get3A_335 = memref.load %arg3[%get3A_334] : memref<16xf32, #tpu.memory_space<smem>>
    %ge3A_336 = arith.cmpf oge, %get3A_335, %get3A_319 : f32
    %convert_element_type3A_337 = arith.extui %ge3A_336 : i1 to i32
    %add3A_338 = arith.addi %add3A_332, %convert_element_type3A_337 : i32
    %get3A_339 = arith.constant 3 : i32
    %get3A_340 = arith.index_cast %get3A_339 : i32 to index
    %get3A_341 = memref.load %arg3[%get3A_340] : memref<16xf32, #tpu.memory_space<smem>>
    %gt3A_342 = arith.cmpf ogt, %get3A_341, %get3A_319 : f32
    %convert_element_type3A_343 = arith.extui %gt3A_342 : i1 to i32
    %add3A_344 = arith.addi %add3A_338, %convert_element_type3A_343 : i32
    %get3A_345 = arith.constant 4 : i32
    %get3A_346 = arith.index_cast %get3A_345 : i32 to index
    %get3A_347 = memref.load %arg3[%get3A_346] : memref<16xf32, #tpu.memory_space<smem>>
    %gt3A_348 = arith.cmpf ogt, %get3A_347, %get3A_319 : f32
    %convert_element_type3A_349 = arith.extui %gt3A_348 : i1 to i32
    %add3A_350 = arith.addi %add3A_344, %convert_element_type3A_349 : i32
    %get3A_351 = arith.constant 5 : i32
    %get3A_352 = arith.index_cast %get3A_351 : i32 to index
    %get3A_353 = memref.load %arg3[%get3A_352] : memref<16xf32, #tpu.memory_space<smem>>
    %gt3A_354 = arith.cmpf ogt, %get3A_353, %get3A_319 : f32
    %convert_element_type3A_355 = arith.extui %gt3A_354 : i1 to i32
    %add3A_356 = arith.addi %add3A_350, %convert_element_type3A_355 : i32
    %get3A_357 = arith.constant 6 : i32
    %get3A_358 = arith.index_cast %get3A_357 : i32 to index
    %get3A_359 = memref.load %arg3[%get3A_358] : memref<16xf32, #tpu.memory_space<smem>>
    %gt3A_360 = arith.cmpf ogt, %get3A_359, %get3A_319 : f32
    %convert_element_type3A_361 = arith.extui %gt3A_360 : i1 to i32
    %add3A_362 = arith.addi %add3A_356, %convert_element_type3A_361 : i32
    %get3A_363 = arith.constant 7 : i32
    %get3A_364 = arith.index_cast %get3A_363 : i32 to index
    %get3A_365 = memref.load %arg3[%get3A_364] : memref<16xf32, #tpu.memory_space<smem>>
    %gt3A_366 = arith.cmpf ogt, %get3A_365, %get3A_319 : f32
    %convert_element_type3A_367 = arith.extui %gt3A_366 : i1 to i32
    %add3A_368 = arith.addi %add3A_362, %convert_element_type3A_367 : i32
    %get3A_369 = arith.constant 8 : i32
    %get3A_370 = arith.index_cast %get3A_369 : i32 to index
    %get3A_371 = memref.load %arg3[%get3A_370] : memref<16xf32, #tpu.memory_space<smem>>
    %gt3A_372 = arith.cmpf ogt, %get3A_371, %get3A_319 : f32
    %convert_element_type3A_373 = arith.extui %gt3A_372 : i1 to i32
    %add3A_374 = arith.addi %add3A_368, %convert_element_type3A_373 : i32
    %get3A_375 = arith.constant 9 : i32
    %get3A_376 = arith.index_cast %get3A_375 : i32 to index
    %get3A_377 = memref.load %arg3[%get3A_376] : memref<16xf32, #tpu.memory_space<smem>>
    %gt3A_378 = arith.cmpf ogt, %get3A_377, %get3A_319 : f32
    %convert_element_type3A_379 = arith.extui %gt3A_378 : i1 to i32
    %add3A_380 = arith.addi %add3A_374, %convert_element_type3A_379 : i32
    %get3A_381 = arith.constant 10 : i32
    %get3A_382 = arith.index_cast %get3A_381 : i32 to index
    %get3A_383 = memref.load %arg3[%get3A_382] : memref<16xf32, #tpu.memory_space<smem>>
    %gt3A_384 = arith.cmpf ogt, %get3A_383, %get3A_319 : f32
    %convert_element_type3A_385 = arith.extui %gt3A_384 : i1 to i32
    %add3A_386 = arith.addi %add3A_380, %convert_element_type3A_385 : i32
    %get3A_387 = arith.constant 11 : i32
    %get3A_388 = arith.index_cast %get3A_387 : i32 to index
    %get3A_389 = memref.load %arg3[%get3A_388] : memref<16xf32, #tpu.memory_space<smem>>
    %gt3A_390 = arith.cmpf ogt, %get3A_389, %get3A_319 : f32
    %convert_element_type3A_391 = arith.extui %gt3A_390 : i1 to i32
    %add3A_392 = arith.addi %add3A_386, %convert_element_type3A_391 : i32
    %get3A_393 = arith.constant 12 : i32
    %get3A_394 = arith.index_cast %get3A_393 : i32 to index
    %get3A_395 = memref.load %arg3[%get3A_394] : memref<16xf32, #tpu.memory_space<smem>>
    %gt3A_396 = arith.cmpf ogt, %get3A_395, %get3A_319 : f32
    %convert_element_type3A_397 = arith.extui %gt3A_396 : i1 to i32
    %add3A_398 = arith.addi %add3A_392, %convert_element_type3A_397 : i32
    %get3A_399 = arith.constant 13 : i32
    %get3A_400 = arith.index_cast %get3A_399 : i32 to index
    %get3A_401 = memref.load %arg3[%get3A_400] : memref<16xf32, #tpu.memory_space<smem>>
    %gt3A_402 = arith.cmpf ogt, %get3A_401, %get3A_319 : f32
    %convert_element_type3A_403 = arith.extui %gt3A_402 : i1 to i32
    %add3A_404 = arith.addi %add3A_398, %convert_element_type3A_403 : i32
    %get3A_405 = arith.constant 14 : i32
    %get3A_406 = arith.index_cast %get3A_405 : i32 to index
    %get3A_407 = memref.load %arg3[%get3A_406] : memref<16xf32, #tpu.memory_space<smem>>
    %gt3A_408 = arith.cmpf ogt, %get3A_407, %get3A_319 : f32
    %convert_element_type3A_409 = arith.extui %gt3A_408 : i1 to i32
    %add3A_410 = arith.addi %add3A_404, %convert_element_type3A_409 : i32
    %get3A_411 = arith.constant 15 : i32
    %get3A_412 = arith.index_cast %get3A_411 : i32 to index
    %get3A_413 = memref.load %arg3[%get3A_412] : memref<16xf32, #tpu.memory_space<smem>>
    %gt3A_414 = arith.cmpf ogt, %get3A_413, %get3A_319 : f32
    %convert_element_type3A_415 = arith.extui %gt3A_414 : i1 to i32
    %add3A_416 = arith.addi %add3A_410, %convert_element_type3A_415 : i32
    %lt3A_417 = arith.constant 8 : i32
    %lt3A_418 = arith.cmpi slt, %add3A_416, %lt3A_417 : i32
    %convert_element_type3A_419 = arith.extui %lt3A_418 : i1 to i32
    %swap3A_420 = arith.constant 3 : i32
    %swap3A_421 = arith.index_cast %swap3A_420 : i32 to index
    %swap3A_422 = memref.load %arg4[%swap3A_421] : memref<16xi32, #tpu.memory_space<smem>>
    memref.store %convert_element_type3A_419, %arg4[%swap3A_421] : memref<16xi32, #tpu.memory_space<smem>>
    %get3A_423 = arith.constant 4 : i32
    %get3A_424 = arith.index_cast %get3A_423 : i32 to index
    %get3A_425 = memref.load %arg3[%get3A_424] : memref<16xf32, #tpu.memory_space<smem>>
    %get3A_426 = arith.constant 0 : i32
    %get3A_427 = arith.index_cast %get3A_426 : i32 to index
    %get3A_428 = memref.load %arg3[%get3A_427] : memref<16xf32, #tpu.memory_space<smem>>
    %ge3A_429 = arith.cmpf oge, %get3A_428, %get3A_425 : f32
    %convert_element_type3A_430 = arith.extui %ge3A_429 : i1 to i32
    %add3A_431 = arith.constant 0 : i32
    %add3A_432 = arith.addi %add3A_431, %convert_element_type3A_430 : i32
    %get3A_433 = arith.constant 1 : i32
    %get3A_434 = arith.index_cast %get3A_433 : i32 to index
    %get3A_435 = memref.load %arg3[%get3A_434] : memref<16xf32, #tpu.memory_space<smem>>
    %ge3A_436 = arith.cmpf oge, %get3A_435, %get3A_425 : f32
    %convert_element_type3A_437 = arith.extui %ge3A_436 : i1 to i32
    %add3A_438 = arith.addi %add3A_432, %convert_element_type3A_437 : i32
    %get3A_439 = arith.constant 2 : i32
    %get3A_440 = arith.index_cast %get3A_439 : i32 to index
    %get3A_441 = memref.load %arg3[%get3A_440] : memref<16xf32, #tpu.memory_space<smem>>
    %ge3A_442 = arith.cmpf oge, %get3A_441, %get3A_425 : f32
    %convert_element_type3A_443 = arith.extui %ge3A_442 : i1 to i32
    %add3A_444 = arith.addi %add3A_438, %convert_element_type3A_443 : i32
    %get3A_445 = arith.constant 3 : i32
    %get3A_446 = arith.index_cast %get3A_445 : i32 to index
    %get3A_447 = memref.load %arg3[%get3A_446] : memref<16xf32, #tpu.memory_space<smem>>
    %ge3A_448 = arith.cmpf oge, %get3A_447, %get3A_425 : f32
    %convert_element_type3A_449 = arith.extui %ge3A_448 : i1 to i32
    %add3A_450 = arith.addi %add3A_444, %convert_element_type3A_449 : i32
    %get3A_451 = arith.constant 4 : i32
    %get3A_452 = arith.index_cast %get3A_451 : i32 to index
    %get3A_453 = memref.load %arg3[%get3A_452] : memref<16xf32, #tpu.memory_space<smem>>
    %gt3A_454 = arith.cmpf ogt, %get3A_453, %get3A_425 : f32
    %convert_element_type3A_455 = arith.extui %gt3A_454 : i1 to i32
    %add3A_456 = arith.addi %add3A_450, %convert_element_type3A_455 : i32
    %get3A_457 = arith.constant 5 : i32
    %get3A_458 = arith.index_cast %get3A_457 : i32 to index
    %get3A_459 = memref.load %arg3[%get3A_458] : memref<16xf32, #tpu.memory_space<smem>>
    %gt3A_460 = arith.cmpf ogt, %get3A_459, %get3A_425 : f32
    %convert_element_type3A_461 = arith.extui %gt3A_460 : i1 to i32
    %add3A_462 = arith.addi %add3A_456, %convert_element_type3A_461 : i32
    %get3A_463 = arith.constant 6 : i32
    %get3A_464 = arith.index_cast %get3A_463 : i32 to index
    %get3A_465 = memref.load %arg3[%get3A_464] : memref<16xf32, #tpu.memory_space<smem>>
    %gt3A_466 = arith.cmpf ogt, %get3A_465, %get3A_425 : f32
    %convert_element_type3A_467 = arith.extui %gt3A_466 : i1 to i32
    %add3A_468 = arith.addi %add3A_462, %convert_element_type3A_467 : i32
    %get3A_469 = arith.constant 7 : i32
    %get3A_470 = arith.index_cast %get3A_469 : i32 to index
    %get3A_471 = memref.load %arg3[%get3A_470] : memref<16xf32, #tpu.memory_space<smem>>
    %gt3A_472 = arith.cmpf ogt, %get3A_471, %get3A_425 : f32
    %convert_element_type3A_473 = arith.extui %gt3A_472 : i1 to i32
    %add3A_474 = arith.addi %add3A_468, %convert_element_type3A_473 : i32
    %get3A_475 = arith.constant 8 : i32
    %get3A_476 = arith.index_cast %get3A_475 : i32 to index
    %get3A_477 = memref.load %arg3[%get3A_476] : memref<16xf32, #tpu.memory_space<smem>>
    %gt3A_478 = arith.cmpf ogt, %get3A_477, %get3A_425 : f32
    %convert_element_type3A_479 = arith.extui %gt3A_478 : i1 to i32
    %add3A_480 = arith.addi %add3A_474, %convert_element_type3A_479 : i32
    %get3A_481 = arith.constant 9 : i32
    %get3A_482 = arith.index_cast %get3A_481 : i32 to index
    %get3A_483 = memref.load %arg3[%get3A_482] : memref<16xf32, #tpu.memory_space<smem>>
    %gt3A_484 = arith.cmpf ogt, %get3A_483, %get3A_425 : f32
    %convert_element_type3A_485 = arith.extui %gt3A_484 : i1 to i32
    %add3A_486 = arith.addi %add3A_480, %convert_element_type3A_485 : i32
    %get3A_487 = arith.constant 10 : i32
    %get3A_488 = arith.index_cast %get3A_487 : i32 to index
    %get3A_489 = memref.load %arg3[%get3A_488] : memref<16xf32, #tpu.memory_space<smem>>
    %gt3A_490 = arith.cmpf ogt, %get3A_489, %get3A_425 : f32
    %convert_element_type3A_491 = arith.extui %gt3A_490 : i1 to i32
    %add3A_492 = arith.addi %add3A_486, %convert_element_type3A_491 : i32
    %get3A_493 = arith.constant 11 : i32
    %get3A_494 = arith.index_cast %get3A_493 : i32 to index
    %get3A_495 = memref.load %arg3[%get3A_494] : memref<16xf32, #tpu.memory_space<smem>>
    %gt3A_496 = arith.cmpf ogt, %get3A_495, %get3A_425 : f32
    %convert_element_type3A_497 = arith.extui %gt3A_496 : i1 to i32
    %add3A_498 = arith.addi %add3A_492, %convert_element_type3A_497 : i32
    %get3A_499 = arith.constant 12 : i32
    %get3A_500 = arith.index_cast %get3A_499 : i32 to index
    %get3A_501 = memref.load %arg3[%get3A_500] : memref<16xf32, #tpu.memory_space<smem>>
    %gt3A_502 = arith.cmpf ogt, %get3A_501, %get3A_425 : f32
    %convert_element_type3A_503 = arith.extui %gt3A_502 : i1 to i32
    %add3A_504 = arith.addi %add3A_498, %convert_element_type3A_503 : i32
    %get3A_505 = arith.constant 13 : i32
    %get3A_506 = arith.index_cast %get3A_505 : i32 to index
    %get3A_507 = memref.load %arg3[%get3A_506] : memref<16xf32, #tpu.memory_space<smem>>
    %gt3A_508 = arith.cmpf ogt, %get3A_507, %get3A_425 : f32
    %convert_element_type3A_509 = arith.extui %gt3A_508 : i1 to i32
    %add3A_510 = arith.addi %add3A_504, %convert_element_type3A_509 : i32
    %get3A_511 = arith.constant 14 : i32
    %get3A_512 = arith.index_cast %get3A_511 : i32 to index
    %get3A_513 = memref.load %arg3[%get3A_512] : memref<16xf32, #tpu.memory_space<smem>>
    %gt3A_514 = arith.cmpf ogt, %get3A_513, %get3A_425 : f32
    %convert_element_type3A_515 = arith.extui %gt3A_514 : i1 to i32
    %add3A_516 = arith.addi %add3A_510, %convert_element_type3A_515 : i32
    %get3A_517 = arith.constant 15 : i32
    %get3A_518 = arith.index_cast %get3A_517 : i32 to index
    %get3A_519 = memref.load %arg3[%get3A_518] : memref<16xf32, #tpu.memory_space<smem>>
    %gt3A_520 = arith.cmpf ogt, %get3A_519, %get3A_425 : f32
    %convert_element_type3A_521 = arith.extui %gt3A_520 : i1 to i32
    %add3A_522 = arith.addi %add3A_516, %convert_element_type3A_521 : i32
    %lt3A_523 = arith.constant 8 : i32
    %lt3A_524 = arith.cmpi slt, %add3A_522, %lt3A_523 : i32
    %convert_element_type3A_525 = arith.extui %lt3A_524 : i1 to i32
    %swap3A_526 = arith.constant 4 : i32
    %swap3A_527 = arith.index_cast %swap3A_526 : i32 to index
    %swap3A_528 = memref.load %arg4[%swap3A_527] : memref<16xi32, #tpu.memory_space<smem>>
    memref.store %convert_element_type3A_525, %arg4[%swap3A_527] : memref<16xi32, #tpu.memory_space<smem>>
    %get3A_529 = arith.constant 5 : i32
    %get3A_530 = arith.index_cast %get3A_529 : i32 to index
    %get3A_531 = memref.load %arg3[%get3A_530] : memref<16xf32, #tpu.memory_space<smem>>
    %get3A_532 = arith.constant 0 : i32
    %get3A_533 = arith.index_cast %get3A_532 : i32 to index
    %get3A_534 = memref.load %arg3[%get3A_533] : memref<16xf32, #tpu.memory_space<smem>>
    %ge3A_535 = arith.cmpf oge, %get3A_534, %get3A_531 : f32
    %convert_element_type3A_536 = arith.extui %ge3A_535 : i1 to i32
    %add3A_537 = arith.constant 0 : i32
    %add3A_538 = arith.addi %add3A_537, %convert_element_type3A_536 : i32
    %get3A_539 = arith.constant 1 : i32
    %get3A_540 = arith.index_cast %get3A_539 : i32 to index
    %get3A_541 = memref.load %arg3[%get3A_540] : memref<16xf32, #tpu.memory_space<smem>>
    %ge3A_542 = arith.cmpf oge, %get3A_541, %get3A_531 : f32
    %convert_element_type3A_543 = arith.extui %ge3A_542 : i1 to i32
    %add3A_544 = arith.addi %add3A_538, %convert_element_type3A_543 : i32
    %get3A_545 = arith.constant 2 : i32
    %get3A_546 = arith.index_cast %get3A_545 : i32 to index
    %get3A_547 = memref.load %arg3[%get3A_546] : memref<16xf32, #tpu.memory_space<smem>>
    %ge3A_548 = arith.cmpf oge, %get3A_547, %get3A_531 : f32
    %convert_element_type3A_549 = arith.extui %ge3A_548 : i1 to i32
    %add3A_550 = arith.addi %add3A_544, %convert_element_type3A_549 : i32
    %get3A_551 = arith.constant 3 : i32
    %get3A_552 = arith.index_cast %get3A_551 : i32 to index
    %get3A_553 = memref.load %arg3[%get3A_552] : memref<16xf32, #tpu.memory_space<smem>>
    %ge3A_554 = arith.cmpf oge, %get3A_553, %get3A_531 : f32
    %convert_element_type3A_555 = arith.extui %ge3A_554 : i1 to i32
    %add3A_556 = arith.addi %add3A_550, %convert_element_type3A_555 : i32
    %get3A_557 = arith.constant 4 : i32
    %get3A_558 = arith.index_cast %get3A_557 : i32 to index
    %get3A_559 = memref.load %arg3[%get3A_558] : memref<16xf32, #tpu.memory_space<smem>>
    %ge3A_560 = arith.cmpf oge, %get3A_559, %get3A_531 : f32
    %convert_element_type3A_561 = arith.extui %ge3A_560 : i1 to i32
    %add3A_562 = arith.addi %add3A_556, %convert_element_type3A_561 : i32
    %get3A_563 = arith.constant 5 : i32
    %get3A_564 = arith.index_cast %get3A_563 : i32 to index
    %get3A_565 = memref.load %arg3[%get3A_564] : memref<16xf32, #tpu.memory_space<smem>>
    %gt3A_566 = arith.cmpf ogt, %get3A_565, %get3A_531 : f32
    %convert_element_type3A_567 = arith.extui %gt3A_566 : i1 to i32
    %add3A_568 = arith.addi %add3A_562, %convert_element_type3A_567 : i32
    %get3A_569 = arith.constant 6 : i32
    %get3A_570 = arith.index_cast %get3A_569 : i32 to index
    %get3A_571 = memref.load %arg3[%get3A_570] : memref<16xf32, #tpu.memory_space<smem>>
    %gt3A_572 = arith.cmpf ogt, %get3A_571, %get3A_531 : f32
    %convert_element_type3A_573 = arith.extui %gt3A_572 : i1 to i32
    %add3A_574 = arith.addi %add3A_568, %convert_element_type3A_573 : i32
    %get3A_575 = arith.constant 7 : i32
    %get3A_576 = arith.index_cast %get3A_575 : i32 to index
    %get3A_577 = memref.load %arg3[%get3A_576] : memref<16xf32, #tpu.memory_space<smem>>
    %gt3A_578 = arith.cmpf ogt, %get3A_577, %get3A_531 : f32
    %convert_element_type3A_579 = arith.extui %gt3A_578 : i1 to i32
    %add3A_580 = arith.addi %add3A_574, %convert_element_type3A_579 : i32
    %get3A_581 = arith.constant 8 : i32
    %get3A_582 = arith.index_cast %get3A_581 : i32 to index
    %get3A_583 = memref.load %arg3[%get3A_582] : memref<16xf32, #tpu.memory_space<smem>>
    %gt3A_584 = arith.cmpf ogt, %get3A_583, %get3A_531 : f32
    %convert_element_type3A_585 = arith.extui %gt3A_584 : i1 to i32
    %add3A_586 = arith.addi %add3A_580, %convert_element_type3A_585 : i32
    %get3A_587 = arith.constant 9 : i32
    %get3A_588 = arith.index_cast %get3A_587 : i32 to index
    %get3A_589 = memref.load %arg3[%get3A_588] : memref<16xf32, #tpu.memory_space<smem>>
    %gt3A_590 = arith.cmpf ogt, %get3A_589, %get3A_531 : f32
    %convert_element_type3A_591 = arith.extui %gt3A_590 : i1 to i32
    %add3A_592 = arith.addi %add3A_586, %convert_element_type3A_591 : i32
    %get3A_593 = arith.constant 10 : i32
    %get3A_594 = arith.index_cast %get3A_593 : i32 to index
    %get3A_595 = memref.load %arg3[%get3A_594] : memref<16xf32, #tpu.memory_space<smem>>
    %gt3A_596 = arith.cmpf ogt, %get3A_595, %get3A_531 : f32
    %convert_element_type3A_597 = arith.extui %gt3A_596 : i1 to i32
    %add3A_598 = arith.addi %add3A_592, %convert_element_type3A_597 : i32
    %get3A_599 = arith.constant 11 : i32
    %get3A_600 = arith.index_cast %get3A_599 : i32 to index
    %get3A_601 = memref.load %arg3[%get3A_600] : memref<16xf32, #tpu.memory_space<smem>>
    %gt3A_602 = arith.cmpf ogt, %get3A_601, %get3A_531 : f32
    %convert_element_type3A_603 = arith.extui %gt3A_602 : i1 to i32
    %add3A_604 = arith.addi %add3A_598, %convert_element_type3A_603 : i32
    %get3A_605 = arith.constant 12 : i32
    %get3A_606 = arith.index_cast %get3A_605 : i32 to index
    %get3A_607 = memref.load %arg3[%get3A_606] : memref<16xf32, #tpu.memory_space<smem>>
    %gt3A_608 = arith.cmpf ogt, %get3A_607, %get3A_531 : f32
    %convert_element_type3A_609 = arith.extui %gt3A_608 : i1 to i32
    %add3A_610 = arith.addi %add3A_604, %convert_element_type3A_609 : i32
    %get3A_611 = arith.constant 13 : i32
    %get3A_612 = arith.index_cast %get3A_611 : i32 to index
    %get3A_613 = memref.load %arg3[%get3A_612] : memref<16xf32, #tpu.memory_space<smem>>
    %gt3A_614 = arith.cmpf ogt, %get3A_613, %get3A_531 : f32
    %convert_element_type3A_615 = arith.extui %gt3A_614 : i1 to i32
    %add3A_616 = arith.addi %add3A_610, %convert_element_type3A_615 : i32
    %get3A_617 = arith.constant 14 : i32
    %get3A_618 = arith.index_cast %get3A_617 : i32 to index
    %get3A_619 = memref.load %arg3[%get3A_618] : memref<16xf32, #tpu.memory_space<smem>>
    %gt3A_620 = arith.cmpf ogt, %get3A_619, %get3A_531 : f32
    %convert_element_type3A_621 = arith.extui %gt3A_620 : i1 to i32
    %add3A_622 = arith.addi %add3A_616, %convert_element_type3A_621 : i32
    %get3A_623 = arith.constant 15 : i32
    %get3A_624 = arith.index_cast %get3A_623 : i32 to index
    %get3A_625 = memref.load %arg3[%get3A_624] : memref<16xf32, #tpu.memory_space<smem>>
    %gt3A_626 = arith.cmpf ogt, %get3A_625, %get3A_531 : f32
    %convert_element_type3A_627 = arith.extui %gt3A_626 : i1 to i32
    %add3A_628 = arith.addi %add3A_622, %convert_element_type3A_627 : i32
    %lt3A_629 = arith.constant 8 : i32
    %lt3A_630 = arith.cmpi slt, %add3A_628, %lt3A_629 : i32
    %convert_element_type3A_631 = arith.extui %lt3A_630 : i1 to i32
    %swap3A_632 = arith.constant 5 : i32
    %swap3A_633 = arith.index_cast %swap3A_632 : i32 to index
    %swap3A_634 = memref.load %arg4[%swap3A_633] : memref<16xi32, #tpu.memory_space<smem>>
    memref.store %convert_element_type3A_631, %arg4[%swap3A_633] : memref<16xi32, #tpu.memory_space<smem>>
    %get3A_635 = arith.constant 6 : i32
    %get3A_636 = arith.index_cast %get3A_635 : i32 to index
    %get3A_637 = memref.load %arg3[%get3A_636] : memref<16xf32, #tpu.memory_space<smem>>
    %get3A_638 = arith.constant 0 : i32
    %get3A_639 = arith.index_cast %get3A_638 : i32 to index
    %get3A_640 = memref.load %arg3[%get3A_639] : memref<16xf32, #tpu.memory_space<smem>>
    %ge3A_641 = arith.cmpf oge, %get3A_640, %get3A_637 : f32
    %convert_element_type3A_642 = arith.extui %ge3A_641 : i1 to i32
    %add3A_643 = arith.constant 0 : i32
    %add3A_644 = arith.addi %add3A_643, %convert_element_type3A_642 : i32
    %get3A_645 = arith.constant 1 : i32
    %get3A_646 = arith.index_cast %get3A_645 : i32 to index
    %get3A_647 = memref.load %arg3[%get3A_646] : memref<16xf32, #tpu.memory_space<smem>>
    %ge3A_648 = arith.cmpf oge, %get3A_647, %get3A_637 : f32
    %convert_element_type3A_649 = arith.extui %ge3A_648 : i1 to i32
    %add3A_650 = arith.addi %add3A_644, %convert_element_type3A_649 : i32
    %get3A_651 = arith.constant 2 : i32
    %get3A_652 = arith.index_cast %get3A_651 : i32 to index
    %get3A_653 = memref.load %arg3[%get3A_652] : memref<16xf32, #tpu.memory_space<smem>>
    %ge3A_654 = arith.cmpf oge, %get3A_653, %get3A_637 : f32
    %convert_element_type3A_655 = arith.extui %ge3A_654 : i1 to i32
    %add3A_656 = arith.addi %add3A_650, %convert_element_type3A_655 : i32
    %get3A_657 = arith.constant 3 : i32
    %get3A_658 = arith.index_cast %get3A_657 : i32 to index
    %get3A_659 = memref.load %arg3[%get3A_658] : memref<16xf32, #tpu.memory_space<smem>>
    %ge3A_660 = arith.cmpf oge, %get3A_659, %get3A_637 : f32
    %convert_element_type3A_661 = arith.extui %ge3A_660 : i1 to i32
    %add3A_662 = arith.addi %add3A_656, %convert_element_type3A_661 : i32
    %get3A_663 = arith.constant 4 : i32
    %get3A_664 = arith.index_cast %get3A_663 : i32 to index
    %get3A_665 = memref.load %arg3[%get3A_664] : memref<16xf32, #tpu.memory_space<smem>>
    %ge3A_666 = arith.cmpf oge, %get3A_665, %get3A_637 : f32
    %convert_element_type3A_667 = arith.extui %ge3A_666 : i1 to i32
    %add3A_668 = arith.addi %add3A_662, %convert_element_type3A_667 : i32
    %get3A_669 = arith.constant 5 : i32
    %get3A_670 = arith.index_cast %get3A_669 : i32 to index
    %get3A_671 = memref.load %arg3[%get3A_670] : memref<16xf32, #tpu.memory_space<smem>>
    %ge3A_672 = arith.cmpf oge, %get3A_671, %get3A_637 : f32
    %convert_element_type3A_673 = arith.extui %ge3A_672 : i1 to i32
    %add3A_674 = arith.addi %add3A_668, %convert_element_type3A_673 : i32
    %get3A_675 = arith.constant 6 : i32
    %get3A_676 = arith.index_cast %get3A_675 : i32 to index
    %get3A_677 = memref.load %arg3[%get3A_676] : memref<16xf32, #tpu.memory_space<smem>>
    %gt3A_678 = arith.cmpf ogt, %get3A_677, %get3A_637 : f32
    %convert_element_type3A_679 = arith.extui %gt3A_678 : i1 to i32
    %add3A_680 = arith.addi %add3A_674, %convert_element_type3A_679 : i32
    %get3A_681 = arith.constant 7 : i32
    %get3A_682 = arith.index_cast %get3A_681 : i32 to index
    %get3A_683 = memref.load %arg3[%get3A_682] : memref<16xf32, #tpu.memory_space<smem>>
    %gt3A_684 = arith.cmpf ogt, %get3A_683, %get3A_637 : f32
    %convert_element_type3A_685 = arith.extui %gt3A_684 : i1 to i32
    %add3A_686 = arith.addi %add3A_680, %convert_element_type3A_685 : i32
    %get3A_687 = arith.constant 8 : i32
    %get3A_688 = arith.index_cast %get3A_687 : i32 to index
    %get3A_689 = memref.load %arg3[%get3A_688] : memref<16xf32, #tpu.memory_space<smem>>
    %gt3A_690 = arith.cmpf ogt, %get3A_689, %get3A_637 : f32
    %convert_element_type3A_691 = arith.extui %gt3A_690 : i1 to i32
    %add3A_692 = arith.addi %add3A_686, %convert_element_type3A_691 : i32
    %get3A_693 = arith.constant 9 : i32
    %get3A_694 = arith.index_cast %get3A_693 : i32 to index
    %get3A_695 = memref.load %arg3[%get3A_694] : memref<16xf32, #tpu.memory_space<smem>>
    %gt3A_696 = arith.cmpf ogt, %get3A_695, %get3A_637 : f32
    %convert_element_type3A_697 = arith.extui %gt3A_696 : i1 to i32
    %add3A_698 = arith.addi %add3A_692, %convert_element_type3A_697 : i32
    %get3A_699 = arith.constant 10 : i32
    %get3A_700 = arith.index_cast %get3A_699 : i32 to index
    %get3A_701 = memref.load %arg3[%get3A_700] : memref<16xf32, #tpu.memory_space<smem>>
    %gt3A_702 = arith.cmpf ogt, %get3A_701, %get3A_637 : f32
    %convert_element_type3A_703 = arith.extui %gt3A_702 : i1 to i32
    %add3A_704 = arith.addi %add3A_698, %convert_element_type3A_703 : i32
    %get3A_705 = arith.constant 11 : i32
    %get3A_706 = arith.index_cast %get3A_705 : i32 to index
    %get3A_707 = memref.load %arg3[%get3A_706] : memref<16xf32, #tpu.memory_space<smem>>
    %gt3A_708 = arith.cmpf ogt, %get3A_707, %get3A_637 : f32
    %convert_element_type3A_709 = arith.extui %gt3A_708 : i1 to i32
    %add3A_710 = arith.addi %add3A_704, %convert_element_type3A_709 : i32
    %get3A_711 = arith.constant 12 : i32
    %get3A_712 = arith.index_cast %get3A_711 : i32 to index
    %get3A_713 = memref.load %arg3[%get3A_712] : memref<16xf32, #tpu.memory_space<smem>>
    %gt3A_714 = arith.cmpf ogt, %get3A_713, %get3A_637 : f32
    %convert_element_type3A_715 = arith.extui %gt3A_714 : i1 to i32
    %add3A_716 = arith.addi %add3A_710, %convert_element_type3A_715 : i32
    %get3A_717 = arith.constant 13 : i32
    %get3A_718 = arith.index_cast %get3A_717 : i32 to index
    %get3A_719 = memref.load %arg3[%get3A_718] : memref<16xf32, #tpu.memory_space<smem>>
    %gt3A_720 = arith.cmpf ogt, %get3A_719, %get3A_637 : f32
    %convert_element_type3A_721 = arith.extui %gt3A_720 : i1 to i32
    %add3A_722 = arith.addi %add3A_716, %convert_element_type3A_721 : i32
    %get3A_723 = arith.constant 14 : i32
    %get3A_724 = arith.index_cast %get3A_723 : i32 to index
    %get3A_725 = memref.load %arg3[%get3A_724] : memref<16xf32, #tpu.memory_space<smem>>
    %gt3A_726 = arith.cmpf ogt, %get3A_725, %get3A_637 : f32
    %convert_element_type3A_727 = arith.extui %gt3A_726 : i1 to i32
    %add3A_728 = arith.addi %add3A_722, %convert_element_type3A_727 : i32
    %get3A_729 = arith.constant 15 : i32
    %get3A_730 = arith.index_cast %get3A_729 : i32 to index
    %get3A_731 = memref.load %arg3[%get3A_730] : memref<16xf32, #tpu.memory_space<smem>>
    %gt3A_732 = arith.cmpf ogt, %get3A_731, %get3A_637 : f32
    %convert_element_type3A_733 = arith.extui %gt3A_732 : i1 to i32
    %add3A_734 = arith.addi %add3A_728, %convert_element_type3A_733 : i32
    %lt3A_735 = arith.constant 8 : i32
    %lt3A_736 = arith.cmpi slt, %add3A_734, %lt3A_735 : i32
    %convert_element_type3A_737 = arith.extui %lt3A_736 : i1 to i32
    %swap3A_738 = arith.constant 6 : i32
    %swap3A_739 = arith.index_cast %swap3A_738 : i32 to index
    %swap3A_740 = memref.load %arg4[%swap3A_739] : memref<16xi32, #tpu.memory_space<smem>>
    memref.store %convert_element_type3A_737, %arg4[%swap3A_739] : memref<16xi32, #tpu.memory_space<smem>>
    %get3A_741 = arith.constant 7 : i32
    %get3A_742 = arith.index_cast %get3A_741 : i32 to index
    %get3A_743 = memref.load %arg3[%get3A_742] : memref<16xf32, #tpu.memory_space<smem>>
    %get3A_744 = arith.constant 0 : i32
    %get3A_745 = arith.index_cast %get3A_744 : i32 to index
    %get3A_746 = memref.load %arg3[%get3A_745] : memref<16xf32, #tpu.memory_space<smem>>
    %ge3A_747 = arith.cmpf oge, %get3A_746, %get3A_743 : f32
    %convert_element_type3A_748 = arith.extui %ge3A_747 : i1 to i32
    %add3A_749 = arith.constant 0 : i32
    %add3A_750 = arith.addi %add3A_749, %convert_element_type3A_748 : i32
    %get3A_751 = arith.constant 1 : i32
    %get3A_752 = arith.index_cast %get3A_751 : i32 to index
    %get3A_753 = memref.load %arg3[%get3A_752] : memref<16xf32, #tpu.memory_space<smem>>
    %ge3A_754 = arith.cmpf oge, %get3A_753, %get3A_743 : f32
    %convert_element_type3A_755 = arith.extui %ge3A_754 : i1 to i32
    %add3A_756 = arith.addi %add3A_750, %convert_element_type3A_755 : i32
    %get3A_757 = arith.constant 2 : i32
    %get3A_758 = arith.index_cast %get3A_757 : i32 to index
    %get3A_759 = memref.load %arg3[%get3A_758] : memref<16xf32, #tpu.memory_space<smem>>
    %ge3A_760 = arith.cmpf oge, %get3A_759, %get3A_743 : f32
    %convert_element_type3A_761 = arith.extui %ge3A_760 : i1 to i32
    %add3A_762 = arith.addi %add3A_756, %convert_element_type3A_761 : i32
    %get3A_763 = arith.constant 3 : i32
    %get3A_764 = arith.index_cast %get3A_763 : i32 to index
    %get3A_765 = memref.load %arg3[%get3A_764] : memref<16xf32, #tpu.memory_space<smem>>
    %ge3A_766 = arith.cmpf oge, %get3A_765, %get3A_743 : f32
    %convert_element_type3A_767 = arith.extui %ge3A_766 : i1 to i32
    %add3A_768 = arith.addi %add3A_762, %convert_element_type3A_767 : i32
    %get3A_769 = arith.constant 4 : i32
    %get3A_770 = arith.index_cast %get3A_769 : i32 to index
    %get3A_771 = memref.load %arg3[%get3A_770] : memref<16xf32, #tpu.memory_space<smem>>
    %ge3A_772 = arith.cmpf oge, %get3A_771, %get3A_743 : f32
    %convert_element_type3A_773 = arith.extui %ge3A_772 : i1 to i32
    %add3A_774 = arith.addi %add3A_768, %convert_element_type3A_773 : i32
    %get3A_775 = arith.constant 5 : i32
    %get3A_776 = arith.index_cast %get3A_775 : i32 to index
    %get3A_777 = memref.load %arg3[%get3A_776] : memref<16xf32, #tpu.memory_space<smem>>
    %ge3A_778 = arith.cmpf oge, %get3A_777, %get3A_743 : f32
    %convert_element_type3A_779 = arith.extui %ge3A_778 : i1 to i32
    %add3A_780 = arith.addi %add3A_774, %convert_element_type3A_779 : i32
    %get3A_781 = arith.constant 6 : i32
    %get3A_782 = arith.index_cast %get3A_781 : i32 to index
    %get3A_783 = memref.load %arg3[%get3A_782] : memref<16xf32, #tpu.memory_space<smem>>
    %ge3A_784 = arith.cmpf oge, %get3A_783, %get3A_743 : f32
    %convert_element_type3A_785 = arith.extui %ge3A_784 : i1 to i32
    %add3A_786 = arith.addi %add3A_780, %convert_element_type3A_785 : i32
    %get3A_787 = arith.constant 7 : i32
    %get3A_788 = arith.index_cast %get3A_787 : i32 to index
    %get3A_789 = memref.load %arg3[%get3A_788] : memref<16xf32, #tpu.memory_space<smem>>
    %gt3A_790 = arith.cmpf ogt, %get3A_789, %get3A_743 : f32
    %convert_element_type3A_791 = arith.extui %gt3A_790 : i1 to i32
    %add3A_792 = arith.addi %add3A_786, %convert_element_type3A_791 : i32
    %get3A_793 = arith.constant 8 : i32
    %get3A_794 = arith.index_cast %get3A_793 : i32 to index
    %get3A_795 = memref.load %arg3[%get3A_794] : memref<16xf32, #tpu.memory_space<smem>>
    %gt3A_796 = arith.cmpf ogt, %get3A_795, %get3A_743 : f32
    %convert_element_type3A_797 = arith.extui %gt3A_796 : i1 to i32
    %add3A_798 = arith.addi %add3A_792, %convert_element_type3A_797 : i32
    %get3A_799 = arith.constant 9 : i32
    %get3A_800 = arith.index_cast %get3A_799 : i32 to index
    %get3A_801 = memref.load %arg3[%get3A_800] : memref<16xf32, #tpu.memory_space<smem>>
    %gt3A_802 = arith.cmpf ogt, %get3A_801, %get3A_743 : f32
    %convert_element_type3A_803 = arith.extui %gt3A_802 : i1 to i32
    %add3A_804 = arith.addi %add3A_798, %convert_element_type3A_803 : i32
    %get3A_805 = arith.constant 10 : i32
    %get3A_806 = arith.index_cast %get3A_805 : i32 to index
    %get3A_807 = memref.load %arg3[%get3A_806] : memref<16xf32, #tpu.memory_space<smem>>
    %gt3A_808 = arith.cmpf ogt, %get3A_807, %get3A_743 : f32
    %convert_element_type3A_809 = arith.extui %gt3A_808 : i1 to i32
    %add3A_810 = arith.addi %add3A_804, %convert_element_type3A_809 : i32
    %get3A_811 = arith.constant 11 : i32
    %get3A_812 = arith.index_cast %get3A_811 : i32 to index
    %get3A_813 = memref.load %arg3[%get3A_812] : memref<16xf32, #tpu.memory_space<smem>>
    %gt3A_814 = arith.cmpf ogt, %get3A_813, %get3A_743 : f32
    %convert_element_type3A_815 = arith.extui %gt3A_814 : i1 to i32
    %add3A_816 = arith.addi %add3A_810, %convert_element_type3A_815 : i32
    %get3A_817 = arith.constant 12 : i32
    %get3A_818 = arith.index_cast %get3A_817 : i32 to index
    %get3A_819 = memref.load %arg3[%get3A_818] : memref<16xf32, #tpu.memory_space<smem>>
    %gt3A_820 = arith.cmpf ogt, %get3A_819, %get3A_743 : f32
    %convert_element_type3A_821 = arith.extui %gt3A_820 : i1 to i32
    %add3A_822 = arith.addi %add3A_816, %convert_element_type3A_821 : i32
    %get3A_823 = arith.constant 13 : i32
    %get3A_824 = arith.index_cast %get3A_823 : i32 to index
    %get3A_825 = memref.load %arg3[%get3A_824] : memref<16xf32, #tpu.memory_space<smem>>
    %gt3A_826 = arith.cmpf ogt, %get3A_825, %get3A_743 : f32
    %convert_element_type3A_827 = arith.extui %gt3A_826 : i1 to i32
    %add3A_828 = arith.addi %add3A_822, %convert_element_type3A_827 : i32
    %get3A_829 = arith.constant 14 : i32
    %get3A_830 = arith.index_cast %get3A_829 : i32 to index
    %get3A_831 = memref.load %arg3[%get3A_830] : memref<16xf32, #tpu.memory_space<smem>>
    %gt3A_832 = arith.cmpf ogt, %get3A_831, %get3A_743 : f32
    %convert_element_type3A_833 = arith.extui %gt3A_832 : i1 to i32
    %add3A_834 = arith.addi %add3A_828, %convert_element_type3A_833 : i32
    %get3A_835 = arith.constant 15 : i32
    %get3A_836 = arith.index_cast %get3A_835 : i32 to index
    %get3A_837 = memref.load %arg3[%get3A_836] : memref<16xf32, #tpu.memory_space<smem>>
    %gt3A_838 = arith.cmpf ogt, %get3A_837, %get3A_743 : f32
    %convert_element_type3A_839 = arith.extui %gt3A_838 : i1 to i32
    %add3A_840 = arith.addi %add3A_834, %convert_element_type3A_839 : i32
    %lt3A_841 = arith.constant 8 : i32
    %lt3A_842 = arith.cmpi slt, %add3A_840, %lt3A_841 : i32
    %convert_element_type3A_843 = arith.extui %lt3A_842 : i1 to i32
    %swap3A_844 = arith.constant 7 : i32
    %swap3A_845 = arith.index_cast %swap3A_844 : i32 to index
    %swap3A_846 = memref.load %arg4[%swap3A_845] : memref<16xi32, #tpu.memory_space<smem>>
    memref.store %convert_element_type3A_843, %arg4[%swap3A_845] : memref<16xi32, #tpu.memory_space<smem>>
    %get3A_847 = arith.constant 8 : i32
    %get3A_848 = arith.index_cast %get3A_847 : i32 to index
    %get3A_849 = memref.load %arg3[%get3A_848] : memref<16xf32, #tpu.memory_space<smem>>
    %get3A_850 = arith.constant 0 : i32
    %get3A_851 = arith.index_cast %get3A_850 : i32 to index
    %get3A_852 = memref.load %arg3[%get3A_851] : memref<16xf32, #tpu.memory_space<smem>>
    %ge3A_853 = arith.cmpf oge, %get3A_852, %get3A_849 : f32
    %convert_element_type3A_854 = arith.extui %ge3A_853 : i1 to i32
    %add3A_855 = arith.constant 0 : i32
    %add3A_856 = arith.addi %add3A_855, %convert_element_type3A_854 : i32
    %get3A_857 = arith.constant 1 : i32
    %get3A_858 = arith.index_cast %get3A_857 : i32 to index
    %get3A_859 = memref.load %arg3[%get3A_858] : memref<16xf32, #tpu.memory_space<smem>>
    %ge3A_860 = arith.cmpf oge, %get3A_859, %get3A_849 : f32
    %convert_element_type3A_861 = arith.extui %ge3A_860 : i1 to i32
    %add3A_862 = arith.addi %add3A_856, %convert_element_type3A_861 : i32
    %get3A_863 = arith.constant 2 : i32
    %get3A_864 = arith.index_cast %get3A_863 : i32 to index
    %get3A_865 = memref.load %arg3[%get3A_864] : memref<16xf32, #tpu.memory_space<smem>>
    %ge3A_866 = arith.cmpf oge, %get3A_865, %get3A_849 : f32
    %convert_element_type3A_867 = arith.extui %ge3A_866 : i1 to i32
    %add3A_868 = arith.addi %add3A_862, %convert_element_type3A_867 : i32
    %get3A_869 = arith.constant 3 : i32
    %get3A_870 = arith.index_cast %get3A_869 : i32 to index
    %get3A_871 = memref.load %arg3[%get3A_870] : memref<16xf32, #tpu.memory_space<smem>>
    %ge3A_872 = arith.cmpf oge, %get3A_871, %get3A_849 : f32
    %convert_element_type3A_873 = arith.extui %ge3A_872 : i1 to i32
    %add3A_874 = arith.addi %add3A_868, %convert_element_type3A_873 : i32
    %get3A_875 = arith.constant 4 : i32
    %get3A_876 = arith.index_cast %get3A_875 : i32 to index
    %get3A_877 = memref.load %arg3[%get3A_876] : memref<16xf32, #tpu.memory_space<smem>>
    %ge3A_878 = arith.cmpf oge, %get3A_877, %get3A_849 : f32
    %convert_element_type3A_879 = arith.extui %ge3A_878 : i1 to i32
    %add3A_880 = arith.addi %add3A_874, %convert_element_type3A_879 : i32
    %get3A_881 = arith.constant 5 : i32
    %get3A_882 = arith.index_cast %get3A_881 : i32 to index
    %get3A_883 = memref.load %arg3[%get3A_882] : memref<16xf32, #tpu.memory_space<smem>>
    %ge3A_884 = arith.cmpf oge, %get3A_883, %get3A_849 : f32
    %convert_element_type3A_885 = arith.extui %ge3A_884 : i1 to i32
    %add3A_886 = arith.addi %add3A_880, %convert_element_type3A_885 : i32
    %get3A_887 = arith.constant 6 : i32
    %get3A_888 = arith.index_cast %get3A_887 : i32 to index
    %get3A_889 = memref.load %arg3[%get3A_888] : memref<16xf32, #tpu.memory_space<smem>>
    %ge3A_890 = arith.cmpf oge, %get3A_889, %get3A_849 : f32
    %convert_element_type3A_891 = arith.extui %ge3A_890 : i1 to i32
    %add3A_892 = arith.addi %add3A_886, %convert_element_type3A_891 : i32
    %get3A_893 = arith.constant 7 : i32
    %get3A_894 = arith.index_cast %get3A_893 : i32 to index
    %get3A_895 = memref.load %arg3[%get3A_894] : memref<16xf32, #tpu.memory_space<smem>>
    %ge3A_896 = arith.cmpf oge, %get3A_895, %get3A_849 : f32
    %convert_element_type3A_897 = arith.extui %ge3A_896 : i1 to i32
    %add3A_898 = arith.addi %add3A_892, %convert_element_type3A_897 : i32
    %get3A_899 = arith.constant 8 : i32
    %get3A_900 = arith.index_cast %get3A_899 : i32 to index
    %get3A_901 = memref.load %arg3[%get3A_900] : memref<16xf32, #tpu.memory_space<smem>>
    %gt3A_902 = arith.cmpf ogt, %get3A_901, %get3A_849 : f32
    %convert_element_type3A_903 = arith.extui %gt3A_902 : i1 to i32
    %add3A_904 = arith.addi %add3A_898, %convert_element_type3A_903 : i32
    %get3A_905 = arith.constant 9 : i32
    %get3A_906 = arith.index_cast %get3A_905 : i32 to index
    %get3A_907 = memref.load %arg3[%get3A_906] : memref<16xf32, #tpu.memory_space<smem>>
    %gt3A_908 = arith.cmpf ogt, %get3A_907, %get3A_849 : f32
    %convert_element_type3A_909 = arith.extui %gt3A_908 : i1 to i32
    %add3A_910 = arith.addi %add3A_904, %convert_element_type3A_909 : i32
    %get3A_911 = arith.constant 10 : i32
    %get3A_912 = arith.index_cast %get3A_911 : i32 to index
    %get3A_913 = memref.load %arg3[%get3A_912] : memref<16xf32, #tpu.memory_space<smem>>
    %gt3A_914 = arith.cmpf ogt, %get3A_913, %get3A_849 : f32
    %convert_element_type3A_915 = arith.extui %gt3A_914 : i1 to i32
    %add3A_916 = arith.addi %add3A_910, %convert_element_type3A_915 : i32
    %get3A_917 = arith.constant 11 : i32
    %get3A_918 = arith.index_cast %get3A_917 : i32 to index
    %get3A_919 = memref.load %arg3[%get3A_918] : memref<16xf32, #tpu.memory_space<smem>>
    %gt3A_920 = arith.cmpf ogt, %get3A_919, %get3A_849 : f32
    %convert_element_type3A_921 = arith.extui %gt3A_920 : i1 to i32
    %add3A_922 = arith.addi %add3A_916, %convert_element_type3A_921 : i32
    %get3A_923 = arith.constant 12 : i32
    %get3A_924 = arith.index_cast %get3A_923 : i32 to index
    %get3A_925 = memref.load %arg3[%get3A_924] : memref<16xf32, #tpu.memory_space<smem>>
    %gt3A_926 = arith.cmpf ogt, %get3A_925, %get3A_849 : f32
    %convert_element_type3A_927 = arith.extui %gt3A_926 : i1 to i32
    %add3A_928 = arith.addi %add3A_922, %convert_element_type3A_927 : i32
    %get3A_929 = arith.constant 13 : i32
    %get3A_930 = arith.index_cast %get3A_929 : i32 to index
    %get3A_931 = memref.load %arg3[%get3A_930] : memref<16xf32, #tpu.memory_space<smem>>
    %gt3A_932 = arith.cmpf ogt, %get3A_931, %get3A_849 : f32
    %convert_element_type3A_933 = arith.extui %gt3A_932 : i1 to i32
    %add3A_934 = arith.addi %add3A_928, %convert_element_type3A_933 : i32
    %get3A_935 = arith.constant 14 : i32
    %get3A_936 = arith.index_cast %get3A_935 : i32 to index
    %get3A_937 = memref.load %arg3[%get3A_936] : memref<16xf32, #tpu.memory_space<smem>>
    %gt3A_938 = arith.cmpf ogt, %get3A_937, %get3A_849 : f32
    %convert_element_type3A_939 = arith.extui %gt3A_938 : i1 to i32
    %add3A_940 = arith.addi %add3A_934, %convert_element_type3A_939 : i32
    %get3A_941 = arith.constant 15 : i32
    %get3A_942 = arith.index_cast %get3A_941 : i32 to index
    %get3A_943 = memref.load %arg3[%get3A_942] : memref<16xf32, #tpu.memory_space<smem>>
    %gt3A_944 = arith.cmpf ogt, %get3A_943, %get3A_849 : f32
    %convert_element_type3A_945 = arith.extui %gt3A_944 : i1 to i32
    %add3A_946 = arith.addi %add3A_940, %convert_element_type3A_945 : i32
    %lt3A_947 = arith.constant 8 : i32
    %lt3A_948 = arith.cmpi slt, %add3A_946, %lt3A_947 : i32
    %convert_element_type3A_949 = arith.extui %lt3A_948 : i1 to i32
    %swap3A_950 = arith.constant 8 : i32
    %swap3A_951 = arith.index_cast %swap3A_950 : i32 to index
    %swap3A_952 = memref.load %arg4[%swap3A_951] : memref<16xi32, #tpu.memory_space<smem>>
    memref.store %convert_element_type3A_949, %arg4[%swap3A_951] : memref<16xi32, #tpu.memory_space<smem>>
    %get3A_953 = arith.constant 9 : i32
    %get3A_954 = arith.index_cast %get3A_953 : i32 to index
    %get3A_955 = memref.load %arg3[%get3A_954] : memref<16xf32, #tpu.memory_space<smem>>
    %get3A_956 = arith.constant 0 : i32
    %get3A_957 = arith.index_cast %get3A_956 : i32 to index
    %get3A_958 = memref.load %arg3[%get3A_957] : memref<16xf32, #tpu.memory_space<smem>>
    %ge3A_959 = arith.cmpf oge, %get3A_958, %get3A_955 : f32
    %convert_element_type3A_960 = arith.extui %ge3A_959 : i1 to i32
    %add3A_961 = arith.constant 0 : i32
    %add3A_962 = arith.addi %add3A_961, %convert_element_type3A_960 : i32
    %get3A_963 = arith.constant 1 : i32
    %get3A_964 = arith.index_cast %get3A_963 : i32 to index
    %get3A_965 = memref.load %arg3[%get3A_964] : memref<16xf32, #tpu.memory_space<smem>>
    %ge3A_966 = arith.cmpf oge, %get3A_965, %get3A_955 : f32
    %convert_element_type3A_967 = arith.extui %ge3A_966 : i1 to i32
    %add3A_968 = arith.addi %add3A_962, %convert_element_type3A_967 : i32
    %get3A_969 = arith.constant 2 : i32
    %get3A_970 = arith.index_cast %get3A_969 : i32 to index
    %get3A_971 = memref.load %arg3[%get3A_970] : memref<16xf32, #tpu.memory_space<smem>>
    %ge3A_972 = arith.cmpf oge, %get3A_971, %get3A_955 : f32
    %convert_element_type3A_973 = arith.extui %ge3A_972 : i1 to i32
    %add3A_974 = arith.addi %add3A_968, %convert_element_type3A_973 : i32
    %get3A_975 = arith.constant 3 : i32
    %get3A_976 = arith.index_cast %get3A_975 : i32 to index
    %get3A_977 = memref.load %arg3[%get3A_976] : memref<16xf32, #tpu.memory_space<smem>>
    %ge3A_978 = arith.cmpf oge, %get3A_977, %get3A_955 : f32
    %convert_element_type3A_979 = arith.extui %ge3A_978 : i1 to i32
    %add3A_980 = arith.addi %add3A_974, %convert_element_type3A_979 : i32
    %get3A_981 = arith.constant 4 : i32
    %get3A_982 = arith.index_cast %get3A_981 : i32 to index
    %get3A_983 = memref.load %arg3[%get3A_982] : memref<16xf32, #tpu.memory_space<smem>>
    %ge3A_984 = arith.cmpf oge, %get3A_983, %get3A_955 : f32
    %convert_element_type3A_985 = arith.extui %ge3A_984 : i1 to i32
    %add3A_986 = arith.addi %add3A_980, %convert_element_type3A_985 : i32
    %get3A_987 = arith.constant 5 : i32
    %get3A_988 = arith.index_cast %get3A_987 : i32 to index
    %get3A_989 = memref.load %arg3[%get3A_988] : memref<16xf32, #tpu.memory_space<smem>>
    %ge3A_990 = arith.cmpf oge, %get3A_989, %get3A_955 : f32
    %convert_element_type3A_991 = arith.extui %ge3A_990 : i1 to i32
    %add3A_992 = arith.addi %add3A_986, %convert_element_type3A_991 : i32
    %get3A_993 = arith.constant 6 : i32
    %get3A_994 = arith.index_cast %get3A_993 : i32 to index
    %get3A_995 = memref.load %arg3[%get3A_994] : memref<16xf32, #tpu.memory_space<smem>>
    %ge3A_996 = arith.cmpf oge, %get3A_995, %get3A_955 : f32
    %convert_element_type3A_997 = arith.extui %ge3A_996 : i1 to i32
    %add3A_998 = arith.addi %add3A_992, %convert_element_type3A_997 : i32
    %get3A_999 = arith.constant 7 : i32
    %get3A_1000 = arith.index_cast %get3A_999 : i32 to index
    %get3A_1001 = memref.load %arg3[%get3A_1000] : memref<16xf32, #tpu.memory_space<smem>>
    %ge3A_1002 = arith.cmpf oge, %get3A_1001, %get3A_955 : f32
    %convert_element_type3A_1003 = arith.extui %ge3A_1002 : i1 to i32
    %add3A_1004 = arith.addi %add3A_998, %convert_element_type3A_1003 : i32
    %get3A_1005 = arith.constant 8 : i32
    %get3A_1006 = arith.index_cast %get3A_1005 : i32 to index
    %get3A_1007 = memref.load %arg3[%get3A_1006] : memref<16xf32, #tpu.memory_space<smem>>
    %ge3A_1008 = arith.cmpf oge, %get3A_1007, %get3A_955 : f32
    %convert_element_type3A_1009 = arith.extui %ge3A_1008 : i1 to i32
    %add3A_1010 = arith.addi %add3A_1004, %convert_element_type3A_1009 : i32
    %get3A_1011 = arith.constant 9 : i32
    %get3A_1012 = arith.index_cast %get3A_1011 : i32 to index
    %get3A_1013 = memref.load %arg3[%get3A_1012] : memref<16xf32, #tpu.memory_space<smem>>
    %gt3A_1014 = arith.cmpf ogt, %get3A_1013, %get3A_955 : f32
    %convert_element_type3A_1015 = arith.extui %gt3A_1014 : i1 to i32
    %add3A_1016 = arith.addi %add3A_1010, %convert_element_type3A_1015 : i32
    %get3A_1017 = arith.constant 10 : i32
    %get3A_1018 = arith.index_cast %get3A_1017 : i32 to index
    %get3A_1019 = memref.load %arg3[%get3A_1018] : memref<16xf32, #tpu.memory_space<smem>>
    %gt3A_1020 = arith.cmpf ogt, %get3A_1019, %get3A_955 : f32
    %convert_element_type3A_1021 = arith.extui %gt3A_1020 : i1 to i32
    %add3A_1022 = arith.addi %add3A_1016, %convert_element_type3A_1021 : i32
    %get3A_1023 = arith.constant 11 : i32
    %get3A_1024 = arith.index_cast %get3A_1023 : i32 to index
    %get3A_1025 = memref.load %arg3[%get3A_1024] : memref<16xf32, #tpu.memory_space<smem>>
    %gt3A_1026 = arith.cmpf ogt, %get3A_1025, %get3A_955 : f32
    %convert_element_type3A_1027 = arith.extui %gt3A_1026 : i1 to i32
    %add3A_1028 = arith.addi %add3A_1022, %convert_element_type3A_1027 : i32
    %get3A_1029 = arith.constant 12 : i32
    %get3A_1030 = arith.index_cast %get3A_1029 : i32 to index
    %get3A_1031 = memref.load %arg3[%get3A_1030] : memref<16xf32, #tpu.memory_space<smem>>
    %gt3A_1032 = arith.cmpf ogt, %get3A_1031, %get3A_955 : f32
    %convert_element_type3A_1033 = arith.extui %gt3A_1032 : i1 to i32
    %add3A_1034 = arith.addi %add3A_1028, %convert_element_type3A_1033 : i32
    %get3A_1035 = arith.constant 13 : i32
    %get3A_1036 = arith.index_cast %get3A_1035 : i32 to index
    %get3A_1037 = memref.load %arg3[%get3A_1036] : memref<16xf32, #tpu.memory_space<smem>>
    %gt3A_1038 = arith.cmpf ogt, %get3A_1037, %get3A_955 : f32
    %convert_element_type3A_1039 = arith.extui %gt3A_1038 : i1 to i32
    %add3A_1040 = arith.addi %add3A_1034, %convert_element_type3A_1039 : i32
    %get3A_1041 = arith.constant 14 : i32
    %get3A_1042 = arith.index_cast %get3A_1041 : i32 to index
    %get3A_1043 = memref.load %arg3[%get3A_1042] : memref<16xf32, #tpu.memory_space<smem>>
    %gt3A_1044 = arith.cmpf ogt, %get3A_1043, %get3A_955 : f32
    %convert_element_type3A_1045 = arith.extui %gt3A_1044 : i1 to i32
    %add3A_1046 = arith.addi %add3A_1040, %convert_element_type3A_1045 : i32
    %get3A_1047 = arith.constant 15 : i32
    %get3A_1048 = arith.index_cast %get3A_1047 : i32 to index
    %get3A_1049 = memref.load %arg3[%get3A_1048] : memref<16xf32, #tpu.memory_space<smem>>
    %gt3A_1050 = arith.cmpf ogt, %get3A_1049, %get3A_955 : f32
    %convert_element_type3A_1051 = arith.extui %gt3A_1050 : i1 to i32
    %add3A_1052 = arith.addi %add3A_1046, %convert_element_type3A_1051 : i32
    %lt3A_1053 = arith.constant 8 : i32
    %lt3A_1054 = arith.cmpi slt, %add3A_1052, %lt3A_1053 : i32
    %convert_element_type3A_1055 = arith.extui %lt3A_1054 : i1 to i32
    %swap3A_1056 = arith.constant 9 : i32
    %swap3A_1057 = arith.index_cast %swap3A_1056 : i32 to index
    %swap3A_1058 = memref.load %arg4[%swap3A_1057] : memref<16xi32, #tpu.memory_space<smem>>
    memref.store %convert_element_type3A_1055, %arg4[%swap3A_1057] : memref<16xi32, #tpu.memory_space<smem>>
    %get3A_1059 = arith.constant 10 : i32
    %get3A_1060 = arith.index_cast %get3A_1059 : i32 to index
    %get3A_1061 = memref.load %arg3[%get3A_1060] : memref<16xf32, #tpu.memory_space<smem>>
    %get3A_1062 = arith.constant 0 : i32
    %get3A_1063 = arith.index_cast %get3A_1062 : i32 to index
    %get3A_1064 = memref.load %arg3[%get3A_1063] : memref<16xf32, #tpu.memory_space<smem>>
    %ge3A_1065 = arith.cmpf oge, %get3A_1064, %get3A_1061 : f32
    %convert_element_type3A_1066 = arith.extui %ge3A_1065 : i1 to i32
    %add3A_1067 = arith.constant 0 : i32
    %add3A_1068 = arith.addi %add3A_1067, %convert_element_type3A_1066 : i32
    %get3A_1069 = arith.constant 1 : i32
    %get3A_1070 = arith.index_cast %get3A_1069 : i32 to index
    %get3A_1071 = memref.load %arg3[%get3A_1070] : memref<16xf32, #tpu.memory_space<smem>>
    %ge3A_1072 = arith.cmpf oge, %get3A_1071, %get3A_1061 : f32
    %convert_element_type3A_1073 = arith.extui %ge3A_1072 : i1 to i32
    %add3A_1074 = arith.addi %add3A_1068, %convert_element_type3A_1073 : i32
    %get3A_1075 = arith.constant 2 : i32
    %get3A_1076 = arith.index_cast %get3A_1075 : i32 to index
    %get3A_1077 = memref.load %arg3[%get3A_1076] : memref<16xf32, #tpu.memory_space<smem>>
    %ge3A_1078 = arith.cmpf oge, %get3A_1077, %get3A_1061 : f32
    %convert_element_type3A_1079 = arith.extui %ge3A_1078 : i1 to i32
    %add3A_1080 = arith.addi %add3A_1074, %convert_element_type3A_1079 : i32
    %get3A_1081 = arith.constant 3 : i32
    %get3A_1082 = arith.index_cast %get3A_1081 : i32 to index
    %get3A_1083 = memref.load %arg3[%get3A_1082] : memref<16xf32, #tpu.memory_space<smem>>
    %ge3A_1084 = arith.cmpf oge, %get3A_1083, %get3A_1061 : f32
    %convert_element_type3A_1085 = arith.extui %ge3A_1084 : i1 to i32
    %add3A_1086 = arith.addi %add3A_1080, %convert_element_type3A_1085 : i32
    %get3A_1087 = arith.constant 4 : i32
    %get3A_1088 = arith.index_cast %get3A_1087 : i32 to index
    %get3A_1089 = memref.load %arg3[%get3A_1088] : memref<16xf32, #tpu.memory_space<smem>>
    %ge3A_1090 = arith.cmpf oge, %get3A_1089, %get3A_1061 : f32
    %convert_element_type3A_1091 = arith.extui %ge3A_1090 : i1 to i32
    %add3A_1092 = arith.addi %add3A_1086, %convert_element_type3A_1091 : i32
    %get3A_1093 = arith.constant 5 : i32
    %get3A_1094 = arith.index_cast %get3A_1093 : i32 to index
    %get3A_1095 = memref.load %arg3[%get3A_1094] : memref<16xf32, #tpu.memory_space<smem>>
    %ge3A_1096 = arith.cmpf oge, %get3A_1095, %get3A_1061 : f32
    %convert_element_type3A_1097 = arith.extui %ge3A_1096 : i1 to i32
    %add3A_1098 = arith.addi %add3A_1092, %convert_element_type3A_1097 : i32
    %get3A_1099 = arith.constant 6 : i32
    %get3A_1100 = arith.index_cast %get3A_1099 : i32 to index
    %get3A_1101 = memref.load %arg3[%get3A_1100] : memref<16xf32, #tpu.memory_space<smem>>
    %ge3A_1102 = arith.cmpf oge, %get3A_1101, %get3A_1061 : f32
    %convert_element_type3A_1103 = arith.extui %ge3A_1102 : i1 to i32
    %add3A_1104 = arith.addi %add3A_1098, %convert_element_type3A_1103 : i32
    %get3A_1105 = arith.constant 7 : i32
    %get3A_1106 = arith.index_cast %get3A_1105 : i32 to index
    %get3A_1107 = memref.load %arg3[%get3A_1106] : memref<16xf32, #tpu.memory_space<smem>>
    %ge3A_1108 = arith.cmpf oge, %get3A_1107, %get3A_1061 : f32
    %convert_element_type3A_1109 = arith.extui %ge3A_1108 : i1 to i32
    %add3A_1110 = arith.addi %add3A_1104, %convert_element_type3A_1109 : i32
    %get3A_1111 = arith.constant 8 : i32
    %get3A_1112 = arith.index_cast %get3A_1111 : i32 to index
    %get3A_1113 = memref.load %arg3[%get3A_1112] : memref<16xf32, #tpu.memory_space<smem>>
    %ge3A_1114 = arith.cmpf oge, %get3A_1113, %get3A_1061 : f32
    %convert_element_type3A_1115 = arith.extui %ge3A_1114 : i1 to i32
    %add3A_1116 = arith.addi %add3A_1110, %convert_element_type3A_1115 : i32
    %get3A_1117 = arith.constant 9 : i32
    %get3A_1118 = arith.index_cast %get3A_1117 : i32 to index
    %get3A_1119 = memref.load %arg3[%get3A_1118] : memref<16xf32, #tpu.memory_space<smem>>
    %ge3A_1120 = arith.cmpf oge, %get3A_1119, %get3A_1061 : f32
    %convert_element_type3A_1121 = arith.extui %ge3A_1120 : i1 to i32
    %add3A_1122 = arith.addi %add3A_1116, %convert_element_type3A_1121 : i32
    %get3A_1123 = arith.constant 10 : i32
    %get3A_1124 = arith.index_cast %get3A_1123 : i32 to index
    %get3A_1125 = memref.load %arg3[%get3A_1124] : memref<16xf32, #tpu.memory_space<smem>>
    %gt3A_1126 = arith.cmpf ogt, %get3A_1125, %get3A_1061 : f32
    %convert_element_type3A_1127 = arith.extui %gt3A_1126 : i1 to i32
    %add3A_1128 = arith.addi %add3A_1122, %convert_element_type3A_1127 : i32
    %get3A_1129 = arith.constant 11 : i32
    %get3A_1130 = arith.index_cast %get3A_1129 : i32 to index
    %get3A_1131 = memref.load %arg3[%get3A_1130] : memref<16xf32, #tpu.memory_space<smem>>
    %gt3A_1132 = arith.cmpf ogt, %get3A_1131, %get3A_1061 : f32
    %convert_element_type3A_1133 = arith.extui %gt3A_1132 : i1 to i32
    %add3A_1134 = arith.addi %add3A_1128, %convert_element_type3A_1133 : i32
    %get3A_1135 = arith.constant 12 : i32
    %get3A_1136 = arith.index_cast %get3A_1135 : i32 to index
    %get3A_1137 = memref.load %arg3[%get3A_1136] : memref<16xf32, #tpu.memory_space<smem>>
    %gt3A_1138 = arith.cmpf ogt, %get3A_1137, %get3A_1061 : f32
    %convert_element_type3A_1139 = arith.extui %gt3A_1138 : i1 to i32
    %add3A_1140 = arith.addi %add3A_1134, %convert_element_type3A_1139 : i32
    %get3A_1141 = arith.constant 13 : i32
    %get3A_1142 = arith.index_cast %get3A_1141 : i32 to index
    %get3A_1143 = memref.load %arg3[%get3A_1142] : memref<16xf32, #tpu.memory_space<smem>>
    %gt3A_1144 = arith.cmpf ogt, %get3A_1143, %get3A_1061 : f32
    %convert_element_type3A_1145 = arith.extui %gt3A_1144 : i1 to i32
    %add3A_1146 = arith.addi %add3A_1140, %convert_element_type3A_1145 : i32
    %get3A_1147 = arith.constant 14 : i32
    %get3A_1148 = arith.index_cast %get3A_1147 : i32 to index
    %get3A_1149 = memref.load %arg3[%get3A_1148] : memref<16xf32, #tpu.memory_space<smem>>
    %gt3A_1150 = arith.cmpf ogt, %get3A_1149, %get3A_1061 : f32
    %convert_element_type3A_1151 = arith.extui %gt3A_1150 : i1 to i32
    %add3A_1152 = arith.addi %add3A_1146, %convert_element_type3A_1151 : i32
    %get3A_1153 = arith.constant 15 : i32
    %get3A_1154 = arith.index_cast %get3A_1153 : i32 to index
    %get3A_1155 = memref.load %arg3[%get3A_1154] : memref<16xf32, #tpu.memory_space<smem>>
    %gt3A_1156 = arith.cmpf ogt, %get3A_1155, %get3A_1061 : f32
    %convert_element_type3A_1157 = arith.extui %gt3A_1156 : i1 to i32
    %add3A_1158 = arith.addi %add3A_1152, %convert_element_type3A_1157 : i32
    %lt3A_1159 = arith.constant 8 : i32
    %lt3A_1160 = arith.cmpi slt, %add3A_1158, %lt3A_1159 : i32
    %convert_element_type3A_1161 = arith.extui %lt3A_1160 : i1 to i32
    %swap3A_1162 = arith.constant 10 : i32
    %swap3A_1163 = arith.index_cast %swap3A_1162 : i32 to index
    %swap3A_1164 = memref.load %arg4[%swap3A_1163] : memref<16xi32, #tpu.memory_space<smem>>
    memref.store %convert_element_type3A_1161, %arg4[%swap3A_1163] : memref<16xi32, #tpu.memory_space<smem>>
    %get3A_1165 = arith.constant 11 : i32
    %get3A_1166 = arith.index_cast %get3A_1165 : i32 to index
    %get3A_1167 = memref.load %arg3[%get3A_1166] : memref<16xf32, #tpu.memory_space<smem>>
    %get3A_1168 = arith.constant 0 : i32
    %get3A_1169 = arith.index_cast %get3A_1168 : i32 to index
    %get3A_1170 = memref.load %arg3[%get3A_1169] : memref<16xf32, #tpu.memory_space<smem>>
    %ge3A_1171 = arith.cmpf oge, %get3A_1170, %get3A_1167 : f32
    %convert_element_type3A_1172 = arith.extui %ge3A_1171 : i1 to i32
    %add3A_1173 = arith.constant 0 : i32
    %add3A_1174 = arith.addi %add3A_1173, %convert_element_type3A_1172 : i32
    %get3A_1175 = arith.constant 1 : i32
    %get3A_1176 = arith.index_cast %get3A_1175 : i32 to index
    %get3A_1177 = memref.load %arg3[%get3A_1176] : memref<16xf32, #tpu.memory_space<smem>>
    %ge3A_1178 = arith.cmpf oge, %get3A_1177, %get3A_1167 : f32
    %convert_element_type3A_1179 = arith.extui %ge3A_1178 : i1 to i32
    %add3A_1180 = arith.addi %add3A_1174, %convert_element_type3A_1179 : i32
    %get3A_1181 = arith.constant 2 : i32
    %get3A_1182 = arith.index_cast %get3A_1181 : i32 to index
    %get3A_1183 = memref.load %arg3[%get3A_1182] : memref<16xf32, #tpu.memory_space<smem>>
    %ge3A_1184 = arith.cmpf oge, %get3A_1183, %get3A_1167 : f32
    %convert_element_type3A_1185 = arith.extui %ge3A_1184 : i1 to i32
    %add3A_1186 = arith.addi %add3A_1180, %convert_element_type3A_1185 : i32
    %get3A_1187 = arith.constant 3 : i32
    %get3A_1188 = arith.index_cast %get3A_1187 : i32 to index
    %get3A_1189 = memref.load %arg3[%get3A_1188] : memref<16xf32, #tpu.memory_space<smem>>
    %ge3A_1190 = arith.cmpf oge, %get3A_1189, %get3A_1167 : f32
    %convert_element_type3A_1191 = arith.extui %ge3A_1190 : i1 to i32
    %add3A_1192 = arith.addi %add3A_1186, %convert_element_type3A_1191 : i32
    %get3A_1193 = arith.constant 4 : i32
    %get3A_1194 = arith.index_cast %get3A_1193 : i32 to index
    %get3A_1195 = memref.load %arg3[%get3A_1194] : memref<16xf32, #tpu.memory_space<smem>>
    %ge3A_1196 = arith.cmpf oge, %get3A_1195, %get3A_1167 : f32
    %convert_element_type3A_1197 = arith.extui %ge3A_1196 : i1 to i32
    %add3A_1198 = arith.addi %add3A_1192, %convert_element_type3A_1197 : i32
    %get3A_1199 = arith.constant 5 : i32
    %get3A_1200 = arith.index_cast %get3A_1199 : i32 to index
    %get3A_1201 = memref.load %arg3[%get3A_1200] : memref<16xf32, #tpu.memory_space<smem>>
    %ge3A_1202 = arith.cmpf oge, %get3A_1201, %get3A_1167 : f32
    %convert_element_type3A_1203 = arith.extui %ge3A_1202 : i1 to i32
    %add3A_1204 = arith.addi %add3A_1198, %convert_element_type3A_1203 : i32
    %get3A_1205 = arith.constant 6 : i32
    %get3A_1206 = arith.index_cast %get3A_1205 : i32 to index
    %get3A_1207 = memref.load %arg3[%get3A_1206] : memref<16xf32, #tpu.memory_space<smem>>
    %ge3A_1208 = arith.cmpf oge, %get3A_1207, %get3A_1167 : f32
    %convert_element_type3A_1209 = arith.extui %ge3A_1208 : i1 to i32
    %add3A_1210 = arith.addi %add3A_1204, %convert_element_type3A_1209 : i32
    %get3A_1211 = arith.constant 7 : i32
    %get3A_1212 = arith.index_cast %get3A_1211 : i32 to index
    %get3A_1213 = memref.load %arg3[%get3A_1212] : memref<16xf32, #tpu.memory_space<smem>>
    %ge3A_1214 = arith.cmpf oge, %get3A_1213, %get3A_1167 : f32
    %convert_element_type3A_1215 = arith.extui %ge3A_1214 : i1 to i32
    %add3A_1216 = arith.addi %add3A_1210, %convert_element_type3A_1215 : i32
    %get3A_1217 = arith.constant 8 : i32
    %get3A_1218 = arith.index_cast %get3A_1217 : i32 to index
    %get3A_1219 = memref.load %arg3[%get3A_1218] : memref<16xf32, #tpu.memory_space<smem>>
    %ge3A_1220 = arith.cmpf oge, %get3A_1219, %get3A_1167 : f32
    %convert_element_type3A_1221 = arith.extui %ge3A_1220 : i1 to i32
    %add3A_1222 = arith.addi %add3A_1216, %convert_element_type3A_1221 : i32
    %get3A_1223 = arith.constant 9 : i32
    %get3A_1224 = arith.index_cast %get3A_1223 : i32 to index
    %get3A_1225 = memref.load %arg3[%get3A_1224] : memref<16xf32, #tpu.memory_space<smem>>
    %ge3A_1226 = arith.cmpf oge, %get3A_1225, %get3A_1167 : f32
    %convert_element_type3A_1227 = arith.extui %ge3A_1226 : i1 to i32
    %add3A_1228 = arith.addi %add3A_1222, %convert_element_type3A_1227 : i32
    %get3A_1229 = arith.constant 10 : i32
    %get3A_1230 = arith.index_cast %get3A_1229 : i32 to index
    %get3A_1231 = memref.load %arg3[%get3A_1230] : memref<16xf32, #tpu.memory_space<smem>>
    %ge3A_1232 = arith.cmpf oge, %get3A_1231, %get3A_1167 : f32
    %convert_element_type3A_1233 = arith.extui %ge3A_1232 : i1 to i32
    %add3A_1234 = arith.addi %add3A_1228, %convert_element_type3A_1233 : i32
    %get3A_1235 = arith.constant 11 : i32
    %get3A_1236 = arith.index_cast %get3A_1235 : i32 to index
    %get3A_1237 = memref.load %arg3[%get3A_1236] : memref<16xf32, #tpu.memory_space<smem>>
    %gt3A_1238 = arith.cmpf ogt, %get3A_1237, %get3A_1167 : f32
    %convert_element_type3A_1239 = arith.extui %gt3A_1238 : i1 to i32
    %add3A_1240 = arith.addi %add3A_1234, %convert_element_type3A_1239 : i32
    %get3A_1241 = arith.constant 12 : i32
    %get3A_1242 = arith.index_cast %get3A_1241 : i32 to index
    %get3A_1243 = memref.load %arg3[%get3A_1242] : memref<16xf32, #tpu.memory_space<smem>>
    %gt3A_1244 = arith.cmpf ogt, %get3A_1243, %get3A_1167 : f32
    %convert_element_type3A_1245 = arith.extui %gt3A_1244 : i1 to i32
    %add3A_1246 = arith.addi %add3A_1240, %convert_element_type3A_1245 : i32
    %get3A_1247 = arith.constant 13 : i32
    %get3A_1248 = arith.index_cast %get3A_1247 : i32 to index
    %get3A_1249 = memref.load %arg3[%get3A_1248] : memref<16xf32, #tpu.memory_space<smem>>
    %gt3A_1250 = arith.cmpf ogt, %get3A_1249, %get3A_1167 : f32
    %convert_element_type3A_1251 = arith.extui %gt3A_1250 : i1 to i32
    %add3A_1252 = arith.addi %add3A_1246, %convert_element_type3A_1251 : i32
    %get3A_1253 = arith.constant 14 : i32
    %get3A_1254 = arith.index_cast %get3A_1253 : i32 to index
    %get3A_1255 = memref.load %arg3[%get3A_1254] : memref<16xf32, #tpu.memory_space<smem>>
    %gt3A_1256 = arith.cmpf ogt, %get3A_1255, %get3A_1167 : f32
    %convert_element_type3A_1257 = arith.extui %gt3A_1256 : i1 to i32
    %add3A_1258 = arith.addi %add3A_1252, %convert_element_type3A_1257 : i32
    %get3A_1259 = arith.constant 15 : i32
    %get3A_1260 = arith.index_cast %get3A_1259 : i32 to index
    %get3A_1261 = memref.load %arg3[%get3A_1260] : memref<16xf32, #tpu.memory_space<smem>>
    %gt3A_1262 = arith.cmpf ogt, %get3A_1261, %get3A_1167 : f32
    %convert_element_type3A_1263 = arith.extui %gt3A_1262 : i1 to i32
    %add3A_1264 = arith.addi %add3A_1258, %convert_element_type3A_1263 : i32
    %lt3A_1265 = arith.constant 8 : i32
    %lt3A_1266 = arith.cmpi slt, %add3A_1264, %lt3A_1265 : i32
    %convert_element_type3A_1267 = arith.extui %lt3A_1266 : i1 to i32
    %swap3A_1268 = arith.constant 11 : i32
    %swap3A_1269 = arith.index_cast %swap3A_1268 : i32 to index
    %swap3A_1270 = memref.load %arg4[%swap3A_1269] : memref<16xi32, #tpu.memory_space<smem>>
    memref.store %convert_element_type3A_1267, %arg4[%swap3A_1269] : memref<16xi32, #tpu.memory_space<smem>>
    %get3A_1271 = arith.constant 12 : i32
    %get3A_1272 = arith.index_cast %get3A_1271 : i32 to index
    %get3A_1273 = memref.load %arg3[%get3A_1272] : memref<16xf32, #tpu.memory_space<smem>>
    %get3A_1274 = arith.constant 0 : i32
    %get3A_1275 = arith.index_cast %get3A_1274 : i32 to index
    %get3A_1276 = memref.load %arg3[%get3A_1275] : memref<16xf32, #tpu.memory_space<smem>>
    %ge3A_1277 = arith.cmpf oge, %get3A_1276, %get3A_1273 : f32
    %convert_element_type3A_1278 = arith.extui %ge3A_1277 : i1 to i32
    %add3A_1279 = arith.constant 0 : i32
    %add3A_1280 = arith.addi %add3A_1279, %convert_element_type3A_1278 : i32
    %get3A_1281 = arith.constant 1 : i32
    %get3A_1282 = arith.index_cast %get3A_1281 : i32 to index
    %get3A_1283 = memref.load %arg3[%get3A_1282] : memref<16xf32, #tpu.memory_space<smem>>
    %ge3A_1284 = arith.cmpf oge, %get3A_1283, %get3A_1273 : f32
    %convert_element_type3A_1285 = arith.extui %ge3A_1284 : i1 to i32
    %add3A_1286 = arith.addi %add3A_1280, %convert_element_type3A_1285 : i32
    %get3A_1287 = arith.constant 2 : i32
    %get3A_1288 = arith.index_cast %get3A_1287 : i32 to index
    %get3A_1289 = memref.load %arg3[%get3A_1288] : memref<16xf32, #tpu.memory_space<smem>>
    %ge3A_1290 = arith.cmpf oge, %get3A_1289, %get3A_1273 : f32
    %convert_element_type3A_1291 = arith.extui %ge3A_1290 : i1 to i32
    %add3A_1292 = arith.addi %add3A_1286, %convert_element_type3A_1291 : i32
    %get3A_1293 = arith.constant 3 : i32
    %get3A_1294 = arith.index_cast %get3A_1293 : i32 to index
    %get3A_1295 = memref.load %arg3[%get3A_1294] : memref<16xf32, #tpu.memory_space<smem>>
    %ge3A_1296 = arith.cmpf oge, %get3A_1295, %get3A_1273 : f32
    %convert_element_type3A_1297 = arith.extui %ge3A_1296 : i1 to i32
    %add3A_1298 = arith.addi %add3A_1292, %convert_element_type3A_1297 : i32
    %get3A_1299 = arith.constant 4 : i32
    %get3A_1300 = arith.index_cast %get3A_1299 : i32 to index
    %get3A_1301 = memref.load %arg3[%get3A_1300] : memref<16xf32, #tpu.memory_space<smem>>
    %ge3A_1302 = arith.cmpf oge, %get3A_1301, %get3A_1273 : f32
    %convert_element_type3A_1303 = arith.extui %ge3A_1302 : i1 to i32
    %add3A_1304 = arith.addi %add3A_1298, %convert_element_type3A_1303 : i32
    %get3A_1305 = arith.constant 5 : i32
    %get3A_1306 = arith.index_cast %get3A_1305 : i32 to index
    %get3A_1307 = memref.load %arg3[%get3A_1306] : memref<16xf32, #tpu.memory_space<smem>>
    %ge3A_1308 = arith.cmpf oge, %get3A_1307, %get3A_1273 : f32
    %convert_element_type3A_1309 = arith.extui %ge3A_1308 : i1 to i32
    %add3A_1310 = arith.addi %add3A_1304, %convert_element_type3A_1309 : i32
    %get3A_1311 = arith.constant 6 : i32
    %get3A_1312 = arith.index_cast %get3A_1311 : i32 to index
    %get3A_1313 = memref.load %arg3[%get3A_1312] : memref<16xf32, #tpu.memory_space<smem>>
    %ge3A_1314 = arith.cmpf oge, %get3A_1313, %get3A_1273 : f32
    %convert_element_type3A_1315 = arith.extui %ge3A_1314 : i1 to i32
    %add3A_1316 = arith.addi %add3A_1310, %convert_element_type3A_1315 : i32
    %get3A_1317 = arith.constant 7 : i32
    %get3A_1318 = arith.index_cast %get3A_1317 : i32 to index
    %get3A_1319 = memref.load %arg3[%get3A_1318] : memref<16xf32, #tpu.memory_space<smem>>
    %ge3A_1320 = arith.cmpf oge, %get3A_1319, %get3A_1273 : f32
    %convert_element_type3A_1321 = arith.extui %ge3A_1320 : i1 to i32
    %add3A_1322 = arith.addi %add3A_1316, %convert_element_type3A_1321 : i32
    %get3A_1323 = arith.constant 8 : i32
    %get3A_1324 = arith.index_cast %get3A_1323 : i32 to index
    %get3A_1325 = memref.load %arg3[%get3A_1324] : memref<16xf32, #tpu.memory_space<smem>>
    %ge3A_1326 = arith.cmpf oge, %get3A_1325, %get3A_1273 : f32
    %convert_element_type3A_1327 = arith.extui %ge3A_1326 : i1 to i32
    %add3A_1328 = arith.addi %add3A_1322, %convert_element_type3A_1327 : i32
    %get3A_1329 = arith.constant 9 : i32
    %get3A_1330 = arith.index_cast %get3A_1329 : i32 to index
    %get3A_1331 = memref.load %arg3[%get3A_1330] : memref<16xf32, #tpu.memory_space<smem>>
    %ge3A_1332 = arith.cmpf oge, %get3A_1331, %get3A_1273 : f32
    %convert_element_type3A_1333 = arith.extui %ge3A_1332 : i1 to i32
    %add3A_1334 = arith.addi %add3A_1328, %convert_element_type3A_1333 : i32
    %get3A_1335 = arith.constant 10 : i32
    %get3A_1336 = arith.index_cast %get3A_1335 : i32 to index
    %get3A_1337 = memref.load %arg3[%get3A_1336] : memref<16xf32, #tpu.memory_space<smem>>
    %ge3A_1338 = arith.cmpf oge, %get3A_1337, %get3A_1273 : f32
    %convert_element_type3A_1339 = arith.extui %ge3A_1338 : i1 to i32
    %add3A_1340 = arith.addi %add3A_1334, %convert_element_type3A_1339 : i32
    %get3A_1341 = arith.constant 11 : i32
    %get3A_1342 = arith.index_cast %get3A_1341 : i32 to index
    %get3A_1343 = memref.load %arg3[%get3A_1342] : memref<16xf32, #tpu.memory_space<smem>>
    %ge3A_1344 = arith.cmpf oge, %get3A_1343, %get3A_1273 : f32
    %convert_element_type3A_1345 = arith.extui %ge3A_1344 : i1 to i32
    %add3A_1346 = arith.addi %add3A_1340, %convert_element_type3A_1345 : i32
    %get3A_1347 = arith.constant 12 : i32
    %get3A_1348 = arith.index_cast %get3A_1347 : i32 to index
    %get3A_1349 = memref.load %arg3[%get3A_1348] : memref<16xf32, #tpu.memory_space<smem>>
    %gt3A_1350 = arith.cmpf ogt, %get3A_1349, %get3A_1273 : f32
    %convert_element_type3A_1351 = arith.extui %gt3A_1350 : i1 to i32
    %add3A_1352 = arith.addi %add3A_1346, %convert_element_type3A_1351 : i32
    %get3A_1353 = arith.constant 13 : i32
    %get3A_1354 = arith.index_cast %get3A_1353 : i32 to index
    %get3A_1355 = memref.load %arg3[%get3A_1354] : memref<16xf32, #tpu.memory_space<smem>>
    %gt3A_1356 = arith.cmpf ogt, %get3A_1355, %get3A_1273 : f32
    %convert_element_type3A_1357 = arith.extui %gt3A_1356 : i1 to i32
    %add3A_1358 = arith.addi %add3A_1352, %convert_element_type3A_1357 : i32
    %get3A_1359 = arith.constant 14 : i32
    %get3A_1360 = arith.index_cast %get3A_1359 : i32 to index
    %get3A_1361 = memref.load %arg3[%get3A_1360] : memref<16xf32, #tpu.memory_space<smem>>
    %gt3A_1362 = arith.cmpf ogt, %get3A_1361, %get3A_1273 : f32
    %convert_element_type3A_1363 = arith.extui %gt3A_1362 : i1 to i32
    %add3A_1364 = arith.addi %add3A_1358, %convert_element_type3A_1363 : i32
    %get3A_1365 = arith.constant 15 : i32
    %get3A_1366 = arith.index_cast %get3A_1365 : i32 to index
    %get3A_1367 = memref.load %arg3[%get3A_1366] : memref<16xf32, #tpu.memory_space<smem>>
    %gt3A_1368 = arith.cmpf ogt, %get3A_1367, %get3A_1273 : f32
    %convert_element_type3A_1369 = arith.extui %gt3A_1368 : i1 to i32
    %add3A_1370 = arith.addi %add3A_1364, %convert_element_type3A_1369 : i32
    %lt3A_1371 = arith.constant 8 : i32
    %lt3A_1372 = arith.cmpi slt, %add3A_1370, %lt3A_1371 : i32
    %convert_element_type3A_1373 = arith.extui %lt3A_1372 : i1 to i32
    %swap3A_1374 = arith.constant 12 : i32
    %swap3A_1375 = arith.index_cast %swap3A_1374 : i32 to index
    %swap3A_1376 = memref.load %arg4[%swap3A_1375] : memref<16xi32, #tpu.memory_space<smem>>
    memref.store %convert_element_type3A_1373, %arg4[%swap3A_1375] : memref<16xi32, #tpu.memory_space<smem>>
    %get3A_1377 = arith.constant 13 : i32
    %get3A_1378 = arith.index_cast %get3A_1377 : i32 to index
    %get3A_1379 = memref.load %arg3[%get3A_1378] : memref<16xf32, #tpu.memory_space<smem>>
    %get3A_1380 = arith.constant 0 : i32
    %get3A_1381 = arith.index_cast %get3A_1380 : i32 to index
    %get3A_1382 = memref.load %arg3[%get3A_1381] : memref<16xf32, #tpu.memory_space<smem>>
    %ge3A_1383 = arith.cmpf oge, %get3A_1382, %get3A_1379 : f32
    %convert_element_type3A_1384 = arith.extui %ge3A_1383 : i1 to i32
    %add3A_1385 = arith.constant 0 : i32
    %add3A_1386 = arith.addi %add3A_1385, %convert_element_type3A_1384 : i32
    %get3A_1387 = arith.constant 1 : i32
    %get3A_1388 = arith.index_cast %get3A_1387 : i32 to index
    %get3A_1389 = memref.load %arg3[%get3A_1388] : memref<16xf32, #tpu.memory_space<smem>>
    %ge3A_1390 = arith.cmpf oge, %get3A_1389, %get3A_1379 : f32
    %convert_element_type3A_1391 = arith.extui %ge3A_1390 : i1 to i32
    %add3A_1392 = arith.addi %add3A_1386, %convert_element_type3A_1391 : i32
    %get3A_1393 = arith.constant 2 : i32
    %get3A_1394 = arith.index_cast %get3A_1393 : i32 to index
    %get3A_1395 = memref.load %arg3[%get3A_1394] : memref<16xf32, #tpu.memory_space<smem>>
    %ge3A_1396 = arith.cmpf oge, %get3A_1395, %get3A_1379 : f32
    %convert_element_type3A_1397 = arith.extui %ge3A_1396 : i1 to i32
    %add3A_1398 = arith.addi %add3A_1392, %convert_element_type3A_1397 : i32
    %get3A_1399 = arith.constant 3 : i32
    %get3A_1400 = arith.index_cast %get3A_1399 : i32 to index
    %get3A_1401 = memref.load %arg3[%get3A_1400] : memref<16xf32, #tpu.memory_space<smem>>
    %ge3A_1402 = arith.cmpf oge, %get3A_1401, %get3A_1379 : f32
    %convert_element_type3A_1403 = arith.extui %ge3A_1402 : i1 to i32
    %add3A_1404 = arith.addi %add3A_1398, %convert_element_type3A_1403 : i32
    %get3A_1405 = arith.constant 4 : i32
    %get3A_1406 = arith.index_cast %get3A_1405 : i32 to index
    %get3A_1407 = memref.load %arg3[%get3A_1406] : memref<16xf32, #tpu.memory_space<smem>>
    %ge3A_1408 = arith.cmpf oge, %get3A_1407, %get3A_1379 : f32
    %convert_element_type3A_1409 = arith.extui %ge3A_1408 : i1 to i32
    %add3A_1410 = arith.addi %add3A_1404, %convert_element_type3A_1409 : i32
    %get3A_1411 = arith.constant 5 : i32
    %get3A_1412 = arith.index_cast %get3A_1411 : i32 to index
    %get3A_1413 = memref.load %arg3[%get3A_1412] : memref<16xf32, #tpu.memory_space<smem>>
    %ge3A_1414 = arith.cmpf oge, %get3A_1413, %get3A_1379 : f32
    %convert_element_type3A_1415 = arith.extui %ge3A_1414 : i1 to i32
    %add3A_1416 = arith.addi %add3A_1410, %convert_element_type3A_1415 : i32
    %get3A_1417 = arith.constant 6 : i32
    %get3A_1418 = arith.index_cast %get3A_1417 : i32 to index
    %get3A_1419 = memref.load %arg3[%get3A_1418] : memref<16xf32, #tpu.memory_space<smem>>
    %ge3A_1420 = arith.cmpf oge, %get3A_1419, %get3A_1379 : f32
    %convert_element_type3A_1421 = arith.extui %ge3A_1420 : i1 to i32
    %add3A_1422 = arith.addi %add3A_1416, %convert_element_type3A_1421 : i32
    %get3A_1423 = arith.constant 7 : i32
    %get3A_1424 = arith.index_cast %get3A_1423 : i32 to index
    %get3A_1425 = memref.load %arg3[%get3A_1424] : memref<16xf32, #tpu.memory_space<smem>>
    %ge3A_1426 = arith.cmpf oge, %get3A_1425, %get3A_1379 : f32
    %convert_element_type3A_1427 = arith.extui %ge3A_1426 : i1 to i32
    %add3A_1428 = arith.addi %add3A_1422, %convert_element_type3A_1427 : i32
    %get3A_1429 = arith.constant 8 : i32
    %get3A_1430 = arith.index_cast %get3A_1429 : i32 to index
    %get3A_1431 = memref.load %arg3[%get3A_1430] : memref<16xf32, #tpu.memory_space<smem>>
    %ge3A_1432 = arith.cmpf oge, %get3A_1431, %get3A_1379 : f32
    %convert_element_type3A_1433 = arith.extui %ge3A_1432 : i1 to i32
    %add3A_1434 = arith.addi %add3A_1428, %convert_element_type3A_1433 : i32
    %get3A_1435 = arith.constant 9 : i32
    %get3A_1436 = arith.index_cast %get3A_1435 : i32 to index
    %get3A_1437 = memref.load %arg3[%get3A_1436] : memref<16xf32, #tpu.memory_space<smem>>
    %ge3A_1438 = arith.cmpf oge, %get3A_1437, %get3A_1379 : f32
    %convert_element_type3A_1439 = arith.extui %ge3A_1438 : i1 to i32
    %add3A_1440 = arith.addi %add3A_1434, %convert_element_type3A_1439 : i32
    %get3A_1441 = arith.constant 10 : i32
    %get3A_1442 = arith.index_cast %get3A_1441 : i32 to index
    %get3A_1443 = memref.load %arg3[%get3A_1442] : memref<16xf32, #tpu.memory_space<smem>>
    %ge3A_1444 = arith.cmpf oge, %get3A_1443, %get3A_1379 : f32
    %convert_element_type3A_1445 = arith.extui %ge3A_1444 : i1 to i32
    %add3A_1446 = arith.addi %add3A_1440, %convert_element_type3A_1445 : i32
    %get3A_1447 = arith.constant 11 : i32
    %get3A_1448 = arith.index_cast %get3A_1447 : i32 to index
    %get3A_1449 = memref.load %arg3[%get3A_1448] : memref<16xf32, #tpu.memory_space<smem>>
    %ge3A_1450 = arith.cmpf oge, %get3A_1449, %get3A_1379 : f32
    %convert_element_type3A_1451 = arith.extui %ge3A_1450 : i1 to i32
    %add3A_1452 = arith.addi %add3A_1446, %convert_element_type3A_1451 : i32
    %get3A_1453 = arith.constant 12 : i32
    %get3A_1454 = arith.index_cast %get3A_1453 : i32 to index
    %get3A_1455 = memref.load %arg3[%get3A_1454] : memref<16xf32, #tpu.memory_space<smem>>
    %ge3A_1456 = arith.cmpf oge, %get3A_1455, %get3A_1379 : f32
    %convert_element_type3A_1457 = arith.extui %ge3A_1456 : i1 to i32
    %add3A_1458 = arith.addi %add3A_1452, %convert_element_type3A_1457 : i32
    %get3A_1459 = arith.constant 13 : i32
    %get3A_1460 = arith.index_cast %get3A_1459 : i32 to index
    %get3A_1461 = memref.load %arg3[%get3A_1460] : memref<16xf32, #tpu.memory_space<smem>>
    %gt3A_1462 = arith.cmpf ogt, %get3A_1461, %get3A_1379 : f32
    %convert_element_type3A_1463 = arith.extui %gt3A_1462 : i1 to i32
    %add3A_1464 = arith.addi %add3A_1458, %convert_element_type3A_1463 : i32
    %get3A_1465 = arith.constant 14 : i32
    %get3A_1466 = arith.index_cast %get3A_1465 : i32 to index
    %get3A_1467 = memref.load %arg3[%get3A_1466] : memref<16xf32, #tpu.memory_space<smem>>
    %gt3A_1468 = arith.cmpf ogt, %get3A_1467, %get3A_1379 : f32
    %convert_element_type3A_1469 = arith.extui %gt3A_1468 : i1 to i32
    %add3A_1470 = arith.addi %add3A_1464, %convert_element_type3A_1469 : i32
    %get3A_1471 = arith.constant 15 : i32
    %get3A_1472 = arith.index_cast %get3A_1471 : i32 to index
    %get3A_1473 = memref.load %arg3[%get3A_1472] : memref<16xf32, #tpu.memory_space<smem>>
    %gt3A_1474 = arith.cmpf ogt, %get3A_1473, %get3A_1379 : f32
    %convert_element_type3A_1475 = arith.extui %gt3A_1474 : i1 to i32
    %add3A_1476 = arith.addi %add3A_1470, %convert_element_type3A_1475 : i32
    %lt3A_1477 = arith.constant 8 : i32
    %lt3A_1478 = arith.cmpi slt, %add3A_1476, %lt3A_1477 : i32
    %convert_element_type3A_1479 = arith.extui %lt3A_1478 : i1 to i32
    %swap3A_1480 = arith.constant 13 : i32
    %swap3A_1481 = arith.index_cast %swap3A_1480 : i32 to index
    %swap3A_1482 = memref.load %arg4[%swap3A_1481] : memref<16xi32, #tpu.memory_space<smem>>
    memref.store %convert_element_type3A_1479, %arg4[%swap3A_1481] : memref<16xi32, #tpu.memory_space<smem>>
    %get3A_1483 = arith.constant 14 : i32
    %get3A_1484 = arith.index_cast %get3A_1483 : i32 to index
    %get3A_1485 = memref.load %arg3[%get3A_1484] : memref<16xf32, #tpu.memory_space<smem>>
    %get3A_1486 = arith.constant 0 : i32
    %get3A_1487 = arith.index_cast %get3A_1486 : i32 to index
    %get3A_1488 = memref.load %arg3[%get3A_1487] : memref<16xf32, #tpu.memory_space<smem>>
    %ge3A_1489 = arith.cmpf oge, %get3A_1488, %get3A_1485 : f32
    %convert_element_type3A_1490 = arith.extui %ge3A_1489 : i1 to i32
    %add3A_1491 = arith.constant 0 : i32
    %add3A_1492 = arith.addi %add3A_1491, %convert_element_type3A_1490 : i32
    %get3A_1493 = arith.constant 1 : i32
    %get3A_1494 = arith.index_cast %get3A_1493 : i32 to index
    %get3A_1495 = memref.load %arg3[%get3A_1494] : memref<16xf32, #tpu.memory_space<smem>>
    %ge3A_1496 = arith.cmpf oge, %get3A_1495, %get3A_1485 : f32
    %convert_element_type3A_1497 = arith.extui %ge3A_1496 : i1 to i32
    %add3A_1498 = arith.addi %add3A_1492, %convert_element_type3A_1497 : i32
    %get3A_1499 = arith.constant 2 : i32
    %get3A_1500 = arith.index_cast %get3A_1499 : i32 to index
    %get3A_1501 = memref.load %arg3[%get3A_1500] : memref<16xf32, #tpu.memory_space<smem>>
    %ge3A_1502 = arith.cmpf oge, %get3A_1501, %get3A_1485 : f32
    %convert_element_type3A_1503 = arith.extui %ge3A_1502 : i1 to i32
    %add3A_1504 = arith.addi %add3A_1498, %convert_element_type3A_1503 : i32
    %get3A_1505 = arith.constant 3 : i32
    %get3A_1506 = arith.index_cast %get3A_1505 : i32 to index
    %get3A_1507 = memref.load %arg3[%get3A_1506] : memref<16xf32, #tpu.memory_space<smem>>
    %ge3A_1508 = arith.cmpf oge, %get3A_1507, %get3A_1485 : f32
    %convert_element_type3A_1509 = arith.extui %ge3A_1508 : i1 to i32
    %add3A_1510 = arith.addi %add3A_1504, %convert_element_type3A_1509 : i32
    %get3A_1511 = arith.constant 4 : i32
    %get3A_1512 = arith.index_cast %get3A_1511 : i32 to index
    %get3A_1513 = memref.load %arg3[%get3A_1512] : memref<16xf32, #tpu.memory_space<smem>>
    %ge3A_1514 = arith.cmpf oge, %get3A_1513, %get3A_1485 : f32
    %convert_element_type3A_1515 = arith.extui %ge3A_1514 : i1 to i32
    %add3A_1516 = arith.addi %add3A_1510, %convert_element_type3A_1515 : i32
    %get3A_1517 = arith.constant 5 : i32
    %get3A_1518 = arith.index_cast %get3A_1517 : i32 to index
    %get3A_1519 = memref.load %arg3[%get3A_1518] : memref<16xf32, #tpu.memory_space<smem>>
    %ge3A_1520 = arith.cmpf oge, %get3A_1519, %get3A_1485 : f32
    %convert_element_type3A_1521 = arith.extui %ge3A_1520 : i1 to i32
    %add3A_1522 = arith.addi %add3A_1516, %convert_element_type3A_1521 : i32
    %get3A_1523 = arith.constant 6 : i32
    %get3A_1524 = arith.index_cast %get3A_1523 : i32 to index
    %get3A_1525 = memref.load %arg3[%get3A_1524] : memref<16xf32, #tpu.memory_space<smem>>
    %ge3A_1526 = arith.cmpf oge, %get3A_1525, %get3A_1485 : f32
    %convert_element_type3A_1527 = arith.extui %ge3A_1526 : i1 to i32
    %add3A_1528 = arith.addi %add3A_1522, %convert_element_type3A_1527 : i32
    %get3A_1529 = arith.constant 7 : i32
    %get3A_1530 = arith.index_cast %get3A_1529 : i32 to index
    %get3A_1531 = memref.load %arg3[%get3A_1530] : memref<16xf32, #tpu.memory_space<smem>>
    %ge3A_1532 = arith.cmpf oge, %get3A_1531, %get3A_1485 : f32
    %convert_element_type3A_1533 = arith.extui %ge3A_1532 : i1 to i32
    %add3A_1534 = arith.addi %add3A_1528, %convert_element_type3A_1533 : i32
    %get3A_1535 = arith.constant 8 : i32
    %get3A_1536 = arith.index_cast %get3A_1535 : i32 to index
    %get3A_1537 = memref.load %arg3[%get3A_1536] : memref<16xf32, #tpu.memory_space<smem>>
    %ge3A_1538 = arith.cmpf oge, %get3A_1537, %get3A_1485 : f32
    %convert_element_type3A_1539 = arith.extui %ge3A_1538 : i1 to i32
    %add3A_1540 = arith.addi %add3A_1534, %convert_element_type3A_1539 : i32
    %get3A_1541 = arith.constant 9 : i32
    %get3A_1542 = arith.index_cast %get3A_1541 : i32 to index
    %get3A_1543 = memref.load %arg3[%get3A_1542] : memref<16xf32, #tpu.memory_space<smem>>
    %ge3A_1544 = arith.cmpf oge, %get3A_1543, %get3A_1485 : f32
    %convert_element_type3A_1545 = arith.extui %ge3A_1544 : i1 to i32
    %add3A_1546 = arith.addi %add3A_1540, %convert_element_type3A_1545 : i32
    %get3A_1547 = arith.constant 10 : i32
    %get3A_1548 = arith.index_cast %get3A_1547 : i32 to index
    %get3A_1549 = memref.load %arg3[%get3A_1548] : memref<16xf32, #tpu.memory_space<smem>>
    %ge3A_1550 = arith.cmpf oge, %get3A_1549, %get3A_1485 : f32
    %convert_element_type3A_1551 = arith.extui %ge3A_1550 : i1 to i32
    %add3A_1552 = arith.addi %add3A_1546, %convert_element_type3A_1551 : i32
    %get3A_1553 = arith.constant 11 : i32
    %get3A_1554 = arith.index_cast %get3A_1553 : i32 to index
    %get3A_1555 = memref.load %arg3[%get3A_1554] : memref<16xf32, #tpu.memory_space<smem>>
    %ge3A_1556 = arith.cmpf oge, %get3A_1555, %get3A_1485 : f32
    %convert_element_type3A_1557 = arith.extui %ge3A_1556 : i1 to i32
    %add3A_1558 = arith.addi %add3A_1552, %convert_element_type3A_1557 : i32
    %get3A_1559 = arith.constant 12 : i32
    %get3A_1560 = arith.index_cast %get3A_1559 : i32 to index
    %get3A_1561 = memref.load %arg3[%get3A_1560] : memref<16xf32, #tpu.memory_space<smem>>
    %ge3A_1562 = arith.cmpf oge, %get3A_1561, %get3A_1485 : f32
    %convert_element_type3A_1563 = arith.extui %ge3A_1562 : i1 to i32
    %add3A_1564 = arith.addi %add3A_1558, %convert_element_type3A_1563 : i32
    %get3A_1565 = arith.constant 13 : i32
    %get3A_1566 = arith.index_cast %get3A_1565 : i32 to index
    %get3A_1567 = memref.load %arg3[%get3A_1566] : memref<16xf32, #tpu.memory_space<smem>>
    %ge3A_1568 = arith.cmpf oge, %get3A_1567, %get3A_1485 : f32
    %convert_element_type3A_1569 = arith.extui %ge3A_1568 : i1 to i32
    %add3A_1570 = arith.addi %add3A_1564, %convert_element_type3A_1569 : i32
    %get3A_1571 = arith.constant 14 : i32
    %get3A_1572 = arith.index_cast %get3A_1571 : i32 to index
    %get3A_1573 = memref.load %arg3[%get3A_1572] : memref<16xf32, #tpu.memory_space<smem>>
    %gt3A_1574 = arith.cmpf ogt, %get3A_1573, %get3A_1485 : f32
    %convert_element_type3A_1575 = arith.extui %gt3A_1574 : i1 to i32
    %add3A_1576 = arith.addi %add3A_1570, %convert_element_type3A_1575 : i32
    %get3A_1577 = arith.constant 15 : i32
    %get3A_1578 = arith.index_cast %get3A_1577 : i32 to index
    %get3A_1579 = memref.load %arg3[%get3A_1578] : memref<16xf32, #tpu.memory_space<smem>>
    %gt3A_1580 = arith.cmpf ogt, %get3A_1579, %get3A_1485 : f32
    %convert_element_type3A_1581 = arith.extui %gt3A_1580 : i1 to i32
    %add3A_1582 = arith.addi %add3A_1576, %convert_element_type3A_1581 : i32
    %lt3A_1583 = arith.constant 8 : i32
    %lt3A_1584 = arith.cmpi slt, %add3A_1582, %lt3A_1583 : i32
    %convert_element_type3A_1585 = arith.extui %lt3A_1584 : i1 to i32
    %swap3A_1586 = arith.constant 14 : i32
    %swap3A_1587 = arith.index_cast %swap3A_1586 : i32 to index
    %swap3A_1588 = memref.load %arg4[%swap3A_1587] : memref<16xi32, #tpu.memory_space<smem>>
    memref.store %convert_element_type3A_1585, %arg4[%swap3A_1587] : memref<16xi32, #tpu.memory_space<smem>>
    %get3A_1589 = arith.constant 15 : i32
    %get3A_1590 = arith.index_cast %get3A_1589 : i32 to index
    %get3A_1591 = memref.load %arg3[%get3A_1590] : memref<16xf32, #tpu.memory_space<smem>>
    %get3A_1592 = arith.constant 0 : i32
    %get3A_1593 = arith.index_cast %get3A_1592 : i32 to index
    %get3A_1594 = memref.load %arg3[%get3A_1593] : memref<16xf32, #tpu.memory_space<smem>>
    %ge3A_1595 = arith.cmpf oge, %get3A_1594, %get3A_1591 : f32
    %convert_element_type3A_1596 = arith.extui %ge3A_1595 : i1 to i32
    %add3A_1597 = arith.constant 0 : i32
    %add3A_1598 = arith.addi %add3A_1597, %convert_element_type3A_1596 : i32
    %get3A_1599 = arith.constant 1 : i32
    %get3A_1600 = arith.index_cast %get3A_1599 : i32 to index
    %get3A_1601 = memref.load %arg3[%get3A_1600] : memref<16xf32, #tpu.memory_space<smem>>
    %ge3A_1602 = arith.cmpf oge, %get3A_1601, %get3A_1591 : f32
    %convert_element_type3A_1603 = arith.extui %ge3A_1602 : i1 to i32
    %add3A_1604 = arith.addi %add3A_1598, %convert_element_type3A_1603 : i32
    %get3A_1605 = arith.constant 2 : i32
    %get3A_1606 = arith.index_cast %get3A_1605 : i32 to index
    %get3A_1607 = memref.load %arg3[%get3A_1606] : memref<16xf32, #tpu.memory_space<smem>>
    %ge3A_1608 = arith.cmpf oge, %get3A_1607, %get3A_1591 : f32
    %convert_element_type3A_1609 = arith.extui %ge3A_1608 : i1 to i32
    %add3A_1610 = arith.addi %add3A_1604, %convert_element_type3A_1609 : i32
    %get3A_1611 = arith.constant 3 : i32
    %get3A_1612 = arith.index_cast %get3A_1611 : i32 to index
    %get3A_1613 = memref.load %arg3[%get3A_1612] : memref<16xf32, #tpu.memory_space<smem>>
    %ge3A_1614 = arith.cmpf oge, %get3A_1613, %get3A_1591 : f32
    %convert_element_type3A_1615 = arith.extui %ge3A_1614 : i1 to i32
    %add3A_1616 = arith.addi %add3A_1610, %convert_element_type3A_1615 : i32
    %get3A_1617 = arith.constant 4 : i32
    %get3A_1618 = arith.index_cast %get3A_1617 : i32 to index
    %get3A_1619 = memref.load %arg3[%get3A_1618] : memref<16xf32, #tpu.memory_space<smem>>
    %ge3A_1620 = arith.cmpf oge, %get3A_1619, %get3A_1591 : f32
    %convert_element_type3A_1621 = arith.extui %ge3A_1620 : i1 to i32
    %add3A_1622 = arith.addi %add3A_1616, %convert_element_type3A_1621 : i32
    %get3A_1623 = arith.constant 5 : i32
    %get3A_1624 = arith.index_cast %get3A_1623 : i32 to index
    %get3A_1625 = memref.load %arg3[%get3A_1624] : memref<16xf32, #tpu.memory_space<smem>>
    %ge3A_1626 = arith.cmpf oge, %get3A_1625, %get3A_1591 : f32
    %convert_element_type3A_1627 = arith.extui %ge3A_1626 : i1 to i32
    %add3A_1628 = arith.addi %add3A_1622, %convert_element_type3A_1627 : i32
    %get3A_1629 = arith.constant 6 : i32
    %get3A_1630 = arith.index_cast %get3A_1629 : i32 to index
    %get3A_1631 = memref.load %arg3[%get3A_1630] : memref<16xf32, #tpu.memory_space<smem>>
    %ge3A_1632 = arith.cmpf oge, %get3A_1631, %get3A_1591 : f32
    %convert_element_type3A_1633 = arith.extui %ge3A_1632 : i1 to i32
    %add3A_1634 = arith.addi %add3A_1628, %convert_element_type3A_1633 : i32
    %get3A_1635 = arith.constant 7 : i32
    %get3A_1636 = arith.index_cast %get3A_1635 : i32 to index
    %get3A_1637 = memref.load %arg3[%get3A_1636] : memref<16xf32, #tpu.memory_space<smem>>
    %ge3A_1638 = arith.cmpf oge, %get3A_1637, %get3A_1591 : f32
    %convert_element_type3A_1639 = arith.extui %ge3A_1638 : i1 to i32
    %add3A_1640 = arith.addi %add3A_1634, %convert_element_type3A_1639 : i32
    %get3A_1641 = arith.constant 8 : i32
    %get3A_1642 = arith.index_cast %get3A_1641 : i32 to index
    %get3A_1643 = memref.load %arg3[%get3A_1642] : memref<16xf32, #tpu.memory_space<smem>>
    %ge3A_1644 = arith.cmpf oge, %get3A_1643, %get3A_1591 : f32
    %convert_element_type3A_1645 = arith.extui %ge3A_1644 : i1 to i32
    %add3A_1646 = arith.addi %add3A_1640, %convert_element_type3A_1645 : i32
    %get3A_1647 = arith.constant 9 : i32
    %get3A_1648 = arith.index_cast %get3A_1647 : i32 to index
    %get3A_1649 = memref.load %arg3[%get3A_1648] : memref<16xf32, #tpu.memory_space<smem>>
    %ge3A_1650 = arith.cmpf oge, %get3A_1649, %get3A_1591 : f32
    %convert_element_type3A_1651 = arith.extui %ge3A_1650 : i1 to i32
    %add3A_1652 = arith.addi %add3A_1646, %convert_element_type3A_1651 : i32
    %get3A_1653 = arith.constant 10 : i32
    %get3A_1654 = arith.index_cast %get3A_1653 : i32 to index
    %get3A_1655 = memref.load %arg3[%get3A_1654] : memref<16xf32, #tpu.memory_space<smem>>
    %ge3A_1656 = arith.cmpf oge, %get3A_1655, %get3A_1591 : f32
    %convert_element_type3A_1657 = arith.extui %ge3A_1656 : i1 to i32
    %add3A_1658 = arith.addi %add3A_1652, %convert_element_type3A_1657 : i32
    %get3A_1659 = arith.constant 11 : i32
    %get3A_1660 = arith.index_cast %get3A_1659 : i32 to index
    %get3A_1661 = memref.load %arg3[%get3A_1660] : memref<16xf32, #tpu.memory_space<smem>>
    %ge3A_1662 = arith.cmpf oge, %get3A_1661, %get3A_1591 : f32
    %convert_element_type3A_1663 = arith.extui %ge3A_1662 : i1 to i32
    %add3A_1664 = arith.addi %add3A_1658, %convert_element_type3A_1663 : i32
    %get3A_1665 = arith.constant 12 : i32
    %get3A_1666 = arith.index_cast %get3A_1665 : i32 to index
    %get3A_1667 = memref.load %arg3[%get3A_1666] : memref<16xf32, #tpu.memory_space<smem>>
    %ge3A_1668 = arith.cmpf oge, %get3A_1667, %get3A_1591 : f32
    %convert_element_type3A_1669 = arith.extui %ge3A_1668 : i1 to i32
    %add3A_1670 = arith.addi %add3A_1664, %convert_element_type3A_1669 : i32
    %get3A_1671 = arith.constant 13 : i32
    %get3A_1672 = arith.index_cast %get3A_1671 : i32 to index
    %get3A_1673 = memref.load %arg3[%get3A_1672] : memref<16xf32, #tpu.memory_space<smem>>
    %ge3A_1674 = arith.cmpf oge, %get3A_1673, %get3A_1591 : f32
    %convert_element_type3A_1675 = arith.extui %ge3A_1674 : i1 to i32
    %add3A_1676 = arith.addi %add3A_1670, %convert_element_type3A_1675 : i32
    %get3A_1677 = arith.constant 14 : i32
    %get3A_1678 = arith.index_cast %get3A_1677 : i32 to index
    %get3A_1679 = memref.load %arg3[%get3A_1678] : memref<16xf32, #tpu.memory_space<smem>>
    %ge3A_1680 = arith.cmpf oge, %get3A_1679, %get3A_1591 : f32
    %convert_element_type3A_1681 = arith.extui %ge3A_1680 : i1 to i32
    %add3A_1682 = arith.addi %add3A_1676, %convert_element_type3A_1681 : i32
    %get3A_1683 = arith.constant 15 : i32
    %get3A_1684 = arith.index_cast %get3A_1683 : i32 to index
    %get3A_1685 = memref.load %arg3[%get3A_1684] : memref<16xf32, #tpu.memory_space<smem>>
    %gt3A_1686 = arith.cmpf ogt, %get3A_1685, %get3A_1591 : f32
    %convert_element_type3A_1687 = arith.extui %gt3A_1686 : i1 to i32
    %add3A_1688 = arith.addi %add3A_1682, %convert_element_type3A_1687 : i32
    %lt3A_1689 = arith.constant 8 : i32
    %lt3A_1690 = arith.cmpi slt, %add3A_1688, %lt3A_1689 : i32
    %convert_element_type3A_1691 = arith.extui %lt3A_1690 : i1 to i32
    %swap3A_1692 = arith.constant 15 : i32
    %swap3A_1693 = arith.index_cast %swap3A_1692 : i32 to index
    %swap3A_1694 = memref.load %arg4[%swap3A_1693] : memref<16xi32, #tpu.memory_space<smem>>
    memref.store %convert_element_type3A_1691, %arg4[%swap3A_1693] : memref<16xi32, #tpu.memory_space<smem>>
    %dma_start3A_1695 = arith.constant 0 : i32
    %dma_start3A_1696 = arith.constant 0 : i32
    %dma_start3A_1697 = tpu.memref_slice %arg2[%dma_start3A_1695, %dma_start3A_1696] : memref<1x16xi32, #tpu.memory_space<hbm>> -> memref<1x16xi32, #tpu.memory_space<hbm>>
    %dma_start3A_1698 = tpu.memref_squeeze %dma_start3A_1697 : memref<1x16xi32, #tpu.memory_space<hbm>> -> memref<16xi32, #tpu.memory_space<hbm>>
    tpu.enqueue_dma source(%arg4 : memref<16xi32, #tpu.memory_space<smem>>) target(%dma_start3A_1698 : memref<16xi32, #tpu.memory_space<hbm>>) target_semaphore(%arg5 : memref<!tpu.dma_semaphore, #tpu.memory_space<semaphore_mem>>)
    %dma_wait3A_1699 = arith.constant 0 : i32
    %dma_wait3A_1700 = arith.constant 0 : i32
    %dma_wait3A_1701 = tpu.memref_slice %arg2[%dma_wait3A_1699, %dma_wait3A_1700] : memref<1x16xi32, #tpu.memory_space<hbm>> -> memref<1x16xi32, #tpu.memory_space<hbm>>
    %dma_wait3A_1702 = tpu.memref_squeeze %dma_wait3A_1701 : memref<1x16xi32, #tpu.memory_space<hbm>> -> memref<16xi32, #tpu.memory_space<hbm>>
    tpu.wait_dma2 semaphore(%arg5 : memref<!tpu.dma_semaphore, #tpu.memory_space<semaphore_mem>>) src(%arg4 : memref<16xi32, #tpu.memory_space<smem>>) dst(%dma_wait3A_1702 : memref<16xi32, #tpu.memory_space<hbm>>)
    return
  }
}

module attributes {stable_mosaic.version = 14 : i64} {
  func.func @_q_kernel(%arg0: i32, %arg1: memref<512x1024xf32, #tpu.memory_space<vmem>>, %arg2: memref<2048x1024xf32, #tpu.memory_space<vmem>>, %arg3: memref<512x1xf32, #tpu.memory_space<vmem>>, %arg4: memref<512x2048xf32, #tpu.memory_space<vmem>>, %arg5: memref<1x16xf32, #tpu.memory_space<vmem>>) attributes {dimension_semantics = [#tpu.dimension_semantics<arbitrary>], iteration_bounds = array<i64: 2>, scalar_prefetch = 0 : i64, scratch_operands = 0 : i64, tpu.core_type = #tpu.core_type<tc>, window_params = [{transform_indices = @transform_0, window_bounds = array<i64: 512, 1024>}, {pipeline_mode = #tpu.pipeline_mode<synchronous>, transform_indices = @transform_1, window_bounds = array<i64: 2048, 1024>}, {transform_indices = @transform_2, window_bounds = array<i64: 512, 1>}, {transform_indices = @transform_3, window_bounds = array<i64: 512, 2048>}, {pipeline_mode = #tpu.pipeline_mode<synchronous>, transform_indices = @transform_4, window_bounds = array<i64: 1, 16>}]} {
    %get3A = arith.constant 0 : index
    %get3A_0 = arith.constant 0 : index
    %get3A_1 = vector.load %arg1[%get3A, %get3A_0] : memref<512x1024xf32, #tpu.memory_space<vmem>>, vector<512x1024xf32>
    %get3A_2 = arith.constant 0 : index
    %get3A_3 = arith.constant 0 : index
    %get3A_4 = vector.load %arg2[%get3A_2, %get3A_3] : memref<2048x1024xf32, #tpu.memory_space<vmem>>, vector<2048x1024xf32>
    %dot_general3A = arith.constant dense<0.000000e+00> : vector<512x2048xf32>
    %dot_general3A_5 = tpu.matmul %get3A_1, %get3A_4, %dot_general3A {dimension_numbers = #tpu.dot_dimension_numbers<[1], [1], [0], [0], [0, 0, 1, 0], [], []>, transpose_lhs_hint = false} : vector<512x1024xf32>, vector<2048x1024xf32>, vector<512x2048xf32> -> vector<512x2048xf32>
    %get3A_6 = arith.constant 0 : index
    %get3A_7 = arith.constant 0 : index
    %get3A_8 = vector.load %arg3[%get3A_6, %get3A_7] : memref<512x1xf32, #tpu.memory_space<vmem>>, vector<512x1xf32>
    %add3A = vector.broadcast %get3A_8 : vector<512x1xf32> to vector<512x2048xf32>
    %add3A_9 = arith.addf %dot_general3A_5, %add3A : vector<512x2048xf32>
    %swap3A = arith.constant 0 : index
    %swap3A_10 = arith.constant 0 : index
    %swap3A_11 = vector.load %arg4[%swap3A, %swap3A_10] : memref<512x2048xf32, #tpu.memory_space<vmem>>, vector<512x2048xf32>
    tpu.vector_store %arg4[%swap3A, %swap3A_10], %add3A_9 {strides = array<i32>} : memref<512x2048xf32, #tpu.memory_space<vmem>>, vector<512x2048xf32>,
    %eq3A = arith.constant 0 : i32
    %eq3A_12 = arith.cmpi eq, %arg0, %eq3A : i32
    %convert_element_type3A = arith.extui %eq3A_12 : i1 to i32
    %cond3A = arith.constant 0 : i32
    %cond3A_13 = arith.cmpi ne, %convert_element_type3A, %cond3A : i32
    scf.if %cond3A_13 {
      %broadcast_in_dim3A_55 = arith.constant 0.000000e+00 : f32
      %broadcast_in_dim3A_56 = vector.broadcast %broadcast_in_dim3A_55 : f32 to vector<1x16xf32>
      %swap3A_57 = arith.constant 0 : index
      %swap3A_58 = arith.constant 0 : index
      %swap3A_59 = vector.load %arg5[%swap3A_57, %swap3A_58] : memref<1x16xf32, #tpu.memory_space<vmem>>, vector<1x16xf32>
      tpu.vector_store %arg5[%swap3A_57, %swap3A_58], %broadcast_in_dim3A_56 {strides = array<i32>} : memref<1x16xf32, #tpu.memory_space<vmem>>, vector<1x16xf32>,
    } else {
    }
    %mul3A = arith.mulf %add3A_9, %add3A_9 : vector<512x2048xf32>
    %reduce_sum3A = arith.constant dense<0.000000e+00> : vector<512xf32>
    %reduce_sum3A_14 = vector.multi_reduction <add>, %mul3A, %reduce_sum3A [1] : vector<512x2048xf32> to vector<512xf32>
    %broadcast_in_dim3A = vector.shape_cast %reduce_sum3A_14 : vector<512xf32> to vector<512x1xf32>
    %mul3A_15 = arith.constant 512 : i32
    %mul3A_16 = arith.muli %arg0, %mul3A_15 : i32
    %iota3A = tpu.iota {dimensions = array<i32: 0>} : vector<512x16xi32>
    %add3A_17 = vector.broadcast %mul3A_16 : i32 to vector<512x16xi32>
    %add3A_18 = arith.addi %add3A_17, %iota3A : vector<512x16xi32>
    %jit3A = arith.constant 64 : i32
    %div3A = vector.broadcast %jit3A : i32 to vector<512x16xi32>
    %div3A_19 = arith.divsi %add3A_18, %div3A : vector<512x16xi32>
    %sign3A = arith.constant 0 : i32
    %sign3A_20 = vector.broadcast %sign3A : i32 to vector<512x16xi32>
    %sign3A_21 = arith.cmpi sgt, %add3A_18, %sign3A_20 : vector<512x16xi32>
    %sign3A_22 = arith.extui %sign3A_21 : vector<512x16xi1> to vector<512x16xi32>
    %sign3A_23 = arith.constant 0 : i32
    %sign3A_24 = vector.broadcast %sign3A_23 : i32 to vector<512x16xi32>
    %sign3A_25 = arith.cmpi slt, %add3A_18, %sign3A_24 : vector<512x16xi32>
    %sign3A_26 = arith.extui %sign3A_25 : vector<512x16xi1> to vector<512x16xi32>
    %sign3A_27 = arith.subi %sign3A_22, %sign3A_26 : vector<512x16xi32>
    %sign3A_28 = arith.constant 0 : i32
    %sign3A_29 = arith.cmpi sgt, %jit3A, %sign3A_28 : i32
    %sign3A_30 = arith.extui %sign3A_29 : i1 to i32
    %sign3A_31 = arith.constant 0 : i32
    %sign3A_32 = arith.cmpi slt, %jit3A, %sign3A_31 : i32
    %sign3A_33 = arith.extui %sign3A_32 : i1 to i32
    %sign3A_34 = arith.subi %sign3A_30, %sign3A_33 : i32
    %ne3A = vector.broadcast %sign3A_34 : i32 to vector<512x16xi32>
    %ne3A_35 = arith.cmpi ne, %sign3A_27, %ne3A : vector<512x16xi32>
    %rem3A = vector.broadcast %jit3A : i32 to vector<512x16xi32>
    %rem3A_36 = arith.remsi %add3A_18, %rem3A : vector<512x16xi32>
    %ne3A_37 = arith.constant 0 : i32
    %ne3A_38 = vector.broadcast %ne3A_37 : i32 to vector<512x16xi32>
    %ne3A_39 = arith.cmpi ne, %rem3A_36, %ne3A_38 : vector<512x16xi32>
    %and3A = arith.andi %ne3A_35, %ne3A_39 : vector<512x16xi1>
    %sub3A = arith.constant 1 : i32
    %sub3A_40 = vector.broadcast %sub3A : i32 to vector<512x16xi32>
    %sub3A_41 = arith.subi %div3A_19, %sub3A_40 : vector<512x16xi32>
    %select_n3A = arith.select %and3A, %sub3A_41, %div3A_19 : vector<512x16xi1>, vector<512x16xi32>
    %iota3A_42 = tpu.iota {dimensions = array<i32: 1>} : vector<512x16xi32>
    %eq3A_43 = arith.cmpi eq, %select_n3A, %iota3A_42 : vector<512x16xi32>
    %convert_element_type3A_44 = arith.extui %eq3A_43 : vector<512x16xi1> to vector<512x16xi32>
    %convert_element_type3A_45 = arith.sitofp %convert_element_type3A_44 : vector<512x16xi32> to vector<512x16xf32>
    %get3A_46 = arith.constant 0 : index
    %get3A_47 = arith.constant 0 : index
    %get3A_48 = vector.load %arg5[%get3A_46, %get3A_47] : memref<1x16xf32, #tpu.memory_space<vmem>>, vector<1x16xf32>
    %dot_general3A_49 = arith.constant dense<0.000000e+00> : vector<1x16xf32>
    %dot_general3A_50 = tpu.matmul %broadcast_in_dim3A, %convert_element_type3A_45, %dot_general3A_49 {dimension_numbers = #tpu.dot_dimension_numbers<[0], [0], [1], [1], [0, 1, 1, 1], [], []>, precision = #tpu.contract_precision<fp32>, transpose_lhs_hint = false} : vector<512x1xf32>, vector<512x16xf32>, vector<1x16xf32> -> vector<1x16xf32>
    %add3A_51 = arith.addf %get3A_48, %dot_general3A_50 : vector<1x16xf32>
    %swap3A_52 = arith.constant 0 : index
    %swap3A_53 = arith.constant 0 : index
    %swap3A_54 = vector.load %arg5[%swap3A_52, %swap3A_53] : memref<1x16xf32, #tpu.memory_space<vmem>>, vector<1x16xf32>
    tpu.vector_store %arg5[%swap3A_52, %swap3A_53], %add3A_51 {strides = array<i32>} : memref<1x16xf32, #tpu.memory_space<vmem>>, vector<1x16xf32>,
    return
  }
  func.func @transform_0(%arg0: i32) -> (i32, i32) {
    %c0_i32 = arith.constant 0 : i32
    %c0_i32_0 = arith.constant 0 : i32
    return %arg0, %c0_i32 : i32, i32
  }
  func.func @transform_1(%arg0: i32) -> (i32, i32) {
    %c0_i32 = arith.constant 0 : i32
    %c0_i32_0 = arith.constant 0 : i32
    %c0_i32_1 = arith.constant 0 : i32
    return %c0_i32, %c0_i32_0 : i32, i32
  }
  func.func @transform_2(%arg0: i32) -> (i32, i32) {
    %c0_i32 = arith.constant 0 : i32
    %c0_i32_0 = arith.constant 0 : i32
    return %arg0, %c0_i32 : i32, i32
  }
  func.func @transform_3(%arg0: i32) -> (i32, i32) {
    %c0_i32 = arith.constant 0 : i32
    %c0_i32_0 = arith.constant 0 : i32
    return %arg0, %c0_i32 : i32, i32
  }
  func.func @transform_4(%arg0: i32) -> (i32, i32) {
    %c0_i32 = arith.constant 0 : i32
    %c0_i32_0 = arith.constant 0 : i32
    %c0_i32_1 = arith.constant 0 : i32
    return %c0_i32, %c0_i32_0 : i32, i32
  }
}

module attributes {stable_mosaic.version = 14 : i64} {
  func.func @_kv_kernel(%arg0: i32, %arg1: memref<512x1024xf32, #tpu.memory_space<vmem>>, %arg2: memref<2048x1024xf32, #tpu.memory_space<vmem>>, %arg3: memref<512x1xf32, #tpu.memory_space<vmem>>, %arg4: memref<512x2048xf32, #tpu.memory_space<vmem>>) attributes {dimension_semantics = [#tpu.dimension_semantics<arbitrary>], iteration_bounds = array<i64: 4>, scalar_prefetch = 0 : i64, scratch_operands = 0 : i64, tpu.core_type = #tpu.core_type<tc>, window_params = [{transform_indices = @transform_0, window_bounds = array<i64: 512, 1024>}, {pipeline_mode = #tpu.pipeline_mode<synchronous>, transform_indices = @transform_1, window_bounds = array<i64: 2048, 1024>}, {transform_indices = @transform_2, window_bounds = array<i64: 512, 1>}, {transform_indices = @transform_3, window_bounds = array<i64: 512, 2048>}]} {
    %get3A = arith.constant 0 : index
    %get3A_0 = arith.constant 0 : index
    %get3A_1 = vector.load %arg1[%get3A, %get3A_0] : memref<512x1024xf32, #tpu.memory_space<vmem>>, vector<512x1024xf32>
    %convert_element_type3A = arith.truncf %get3A_1 : vector<512x1024xf32> to vector<512x1024xbf16>
    %get3A_2 = arith.constant 0 : index
    %get3A_3 = arith.constant 0 : index
    %get3A_4 = vector.load %arg2[%get3A_2, %get3A_3] : memref<2048x1024xf32, #tpu.memory_space<vmem>>, vector<2048x1024xf32>
    %convert_element_type3A_5 = arith.truncf %get3A_4 : vector<2048x1024xf32> to vector<2048x1024xbf16>
    %dot_general3A = arith.constant dense<0.000000e+00> : vector<512x2048xf32>
    %dot_general3A_6 = tpu.matmul %convert_element_type3A, %convert_element_type3A_5, %dot_general3A {dimension_numbers = #tpu.dot_dimension_numbers<[1], [1], [0], [0], [0, 0, 1, 0], [], []>, transpose_lhs_hint = false} : vector<512x1024xbf16>, vector<2048x1024xbf16>, vector<512x2048xf32> -> vector<512x2048xf32>
    %get3A_7 = arith.constant 0 : index
    %get3A_8 = arith.constant 0 : index
    %get3A_9 = vector.load %arg3[%get3A_7, %get3A_8] : memref<512x1xf32, #tpu.memory_space<vmem>>, vector<512x1xf32>
    %add3A = vector.broadcast %get3A_9 : vector<512x1xf32> to vector<512x2048xf32>
    %add3A_10 = arith.addf %dot_general3A_6, %add3A : vector<512x2048xf32>
    %swap3A = arith.constant 0 : index
    %swap3A_11 = arith.constant 0 : index
    %swap3A_12 = vector.load %arg4[%swap3A, %swap3A_11] : memref<512x2048xf32, #tpu.memory_space<vmem>>, vector<512x2048xf32>
    tpu.vector_store %arg4[%swap3A, %swap3A_11], %add3A_10 {strides = array<i32>} : memref<512x2048xf32, #tpu.memory_space<vmem>>, vector<512x2048xf32>,
    return
  }
  func.func @transform_0(%arg0: i32) -> (i32, i32) {
    %c0_i32 = arith.constant 0 : i32
    %c0_i32_0 = arith.constant 0 : i32
    return %arg0, %c0_i32 : i32, i32
  }
  func.func @transform_1(%arg0: i32) -> (i32, i32) {
    %c0_i32 = arith.constant 0 : i32
    %c0_i32_0 = arith.constant 0 : i32
    %c0_i32_1 = arith.constant 0 : i32
    return %c0_i32, %c0_i32_0 : i32, i32
  }
  func.func @transform_2(%arg0: i32) -> (i32, i32) {
    %c0_i32 = arith.constant 0 : i32
    %c0_i32_0 = arith.constant 0 : i32
    return %arg0, %c0_i32 : i32, i32
  }
  func.func @transform_3(%arg0: i32) -> (i32, i32) {
    %c0_i32 = arith.constant 0 : i32
    %c0_i32_0 = arith.constant 0 : i32
    return %arg0, %c0_i32 : i32, i32
  }
}

module attributes {stable_mosaic.version = 14 : i64} {
  func.func @_attn_kernel(%arg0: i32, %arg1: i32, %arg2: memref<1x16xi32, #tpu.memory_space<smem>>, %arg3: memref<64x512xf32, #tpu.memory_space<vmem>>, %arg4: memref<64x2048xf32, #tpu.memory_space<vmem>>, %arg5: memref<64x2048xf32, #tpu.memory_space<vmem>>, %arg6: memref<64x1024xf32, #tpu.memory_space<vmem>>, %arg7: memref<1x1024xf32, #tpu.memory_space<vmem>>, %arg8: memref<1x1x512x2048xf32, #tpu.memory_space<vmem>>, %arg9: memref<2048x1024xf32, #tpu.memory_space<vmem>>) attributes {dimension_semantics = [#tpu.dimension_semantics<arbitrary>, #tpu.dimension_semantics<arbitrary>], iteration_bounds = array<i64: 16, 4>, scalar_prefetch = 0 : i64, scratch_operands = 0 : i64, tpu.core_type = #tpu.core_type<tc>, window_params = [{transform_indices = @transform_0, window_bounds = array<i64: 1, 16>}, {transform_indices = @transform_1, window_bounds = array<i64: 64, 512>}, {transform_indices = @transform_2, window_bounds = array<i64: 64, 2048>}, {transform_indices = @transform_3, window_bounds = array<i64: 64, 2048>}, {transform_indices = @transform_4, window_bounds = array<i64: 64, 1024>}, {pipeline_mode = #tpu.pipeline_mode<synchronous>, transform_indices = @transform_5, window_bounds = array<i64: 1, 1024>}, {transform_indices = @transform_6, window_bounds = array<i64: 1, 1, 512, 2048>}, {pipeline_mode = #tpu.pipeline_mode<synchronous>, transform_indices = @transform_7, window_bounds = array<i64: 2048, 1024>}]} {
    %get3A = arith.constant 0 : index
    %get3A_0 = arith.index_cast %arg0 : i32 to index
    %get3A_1 = memref.load %arg2[%get3A, %get3A_0] : memref<1x16xi32, #tpu.memory_space<smem>>
    %ne3A = arith.constant 0 : i32
    %ne3A_2 = arith.cmpi ne, %get3A_1, %ne3A : i32
    %mul3A = arith.constant 512 : i32
    %mul3A_3 = arith.muli %arg1, %mul3A : i32
    %eq3A = arith.constant 0 : i32
    %eq3A_4 = arith.cmpi eq, %arg0, %eq3A : i32
    %convert_element_type3A = arith.extui %eq3A_4 : i1 to i32
    %cond3A = arith.constant 0 : i32
    %cond3A_5 = arith.cmpi ne, %convert_element_type3A, %cond3A : i32
    scf.if %cond3A_5 {
      %get3A_13 = arith.constant 0 : index
      %get3A_14 = arith.constant 0 : index
      %get3A_15 = vector.load %arg7[%get3A_13, %get3A_14] : memref<1x1024xf32, #tpu.memory_space<vmem>>, vector<1x1024xf32>
      %broadcast_in_dim3A = vector.shape_cast %get3A_15 : vector<1x1024xf32> to vector<1x1024xf32>
      %broadcast_in_dim3A_16 = vector.broadcast %broadcast_in_dim3A : vector<1x1024xf32> to vector<512x1024xf32>
      %swap3A = arith.index_cast %mul3A_3 : i32 to index
      %swap3A_17 = arith.constant 0 : index
      %swap3A_18 = vector.load %arg9[%swap3A, %swap3A_17] : memref<2048x1024xf32, #tpu.memory_space<vmem>>, vector<512x1024xf32>
      tpu.vector_store %arg9[%swap3A, %swap3A_17], %broadcast_in_dim3A_16 {strides = array<i32>} : memref<2048x1024xf32, #tpu.memory_space<vmem>>, vector<512x1024xf32>,
    } else {
    }
    %convert_element_type3A_6 = arith.extui %ne3A_2 : i1 to i32
    %cond3A_7 = arith.constant 0 : i32
    %cond3A_8 = arith.cmpi ne, %convert_element_type3A_6, %cond3A_7 : i32
    scf.if %cond3A_8 {
      %get3A_13 = arith.constant 0 : index
      %get3A_14 = arith.constant 0 : index
      %get3A_15 = vector.load %arg3[%get3A_13, %get3A_14] : memref<64x512xf32, #tpu.memory_space<vmem>>, vector<64x512xf32>
      %get3A_16 = arith.constant 0 : index
      %get3A_17 = arith.constant 0 : index
      %get3A_18 = vector.load %arg4[%get3A_16, %get3A_17] : memref<64x2048xf32, #tpu.memory_space<vmem>>, vector<64x2048xf32>
      %convert_element_type3A_19 = arith.truncf %get3A_15 : vector<64x512xf32> to vector<64x512xbf16>
      %convert_element_type3A_20 = arith.truncf %get3A_18 : vector<64x2048xf32> to vector<64x2048xbf16>
      %dot_general3A = arith.constant dense<0.000000e+00> : vector<512x2048xf32>
      %dot_general3A_21 = tpu.matmul %convert_element_type3A_19, %convert_element_type3A_20, %dot_general3A {dimension_numbers = #tpu.dot_dimension_numbers<[0], [0], [1], [1], [0, 1, 1, 1], [], []>, transpose_lhs_hint = false} : vector<64x512xbf16>, vector<64x2048xbf16>, vector<512x2048xf32> -> vector<512x2048xf32>
      %mul3A_22 = arith.constant 1.250000e-01 : f32
      %mul3A_23 = vector.broadcast %mul3A_22 : f32 to vector<512x2048xf32>
      %mul3A_24 = arith.mulf %dot_general3A_21, %mul3A_23 : vector<512x2048xf32>
      %exp3A = math.exp %mul3A_24 : vector<512x2048xf32>
      %reduce_sum3A = arith.constant dense<0.000000e+00> : vector<512xf32>
      %reduce_sum3A_25 = vector.multi_reduction <add>, %exp3A, %reduce_sum3A [1] : vector<512x2048xf32> to vector<512xf32>
      %broadcast_in_dim3A = vector.shape_cast %reduce_sum3A_25 : vector<512xf32> to vector<512x1xf32>
      %div3A = arith.constant 1.000000e+00 : f32
      %div3A_26 = vector.broadcast %div3A : f32 to vector<512x1xf32>
      %div3A_27 = arith.divf %div3A_26, %broadcast_in_dim3A : vector<512x1xf32>
      %convert_element_type3A_28 = arith.truncf %exp3A : vector<512x2048xf32> to vector<512x2048xbf16>
      %get3A_29 = arith.constant 0 : index
      %get3A_30 = arith.constant 0 : index
      %get3A_31 = vector.load %arg5[%get3A_29, %get3A_30] : memref<64x2048xf32, #tpu.memory_space<vmem>>, vector<64x2048xf32>
      %convert_element_type3A_32 = arith.truncf %get3A_31 : vector<64x2048xf32> to vector<64x2048xbf16>
      %dot_general3A_33 = arith.constant dense<0.000000e+00> : vector<512x64xf32>
      %dot_general3A_34 = tpu.matmul %convert_element_type3A_28, %convert_element_type3A_32, %dot_general3A_33 {dimension_numbers = #tpu.dot_dimension_numbers<[1], [1], [0], [0], [0, 0, 1, 0], [], []>, transpose_lhs_hint = false} : vector<512x2048xbf16>, vector<64x2048xbf16>, vector<512x64xf32> -> vector<512x64xf32>
      %convert_element_type3A_35 = arith.extf %convert_element_type3A_28 : vector<512x2048xbf16> to vector<512x2048xf32>
      %mul3A_36 = vector.broadcast %div3A_27 : vector<512x1xf32> to vector<512x2048xf32>
      %mul3A_37 = arith.mulf %convert_element_type3A_35, %mul3A_36 : vector<512x2048xf32>
      %swap3A = arith.constant 0 : index
      %swap3A_38 = arith.constant 0 : index
      %swap3A_39 = arith.constant 0 : index
      %swap3A_40 = arith.constant 0 : index
      %swap3A_41 = vector.load %arg8[%swap3A, %swap3A_38, %swap3A_39, %swap3A_40] : memref<1x1x512x2048xf32, #tpu.memory_space<vmem>>, vector<1x1x512x2048xf32>
      %swap3A_42 = vector.shape_cast %swap3A_41 : vector<1x1x512x2048xf32> to vector<512x2048xf32>
      %swap3A_43 = vector.shape_cast %mul3A_37 : vector<512x2048xf32> to vector<1x1x512x2048xf32>
      tpu.vector_store %arg8[%swap3A, %swap3A_38, %swap3A_39, %swap3A_40], %swap3A_43 {strides = array<i32>} : memref<1x1x512x2048xf32, #tpu.memory_space<vmem>>, vector<1x1x512x2048xf32>,
      %get3A_44 = arith.index_cast %mul3A_3 : i32 to index
      %get3A_45 = arith.constant 0 : index
      %get3A_46 = vector.load %arg9[%get3A_44, %get3A_45] : memref<2048x1024xf32, #tpu.memory_space<vmem>>, vector<512x1024xf32>
      %mul3A_47 = vector.broadcast %div3A_27 : vector<512x1xf32> to vector<512x64xf32>
      %mul3A_48 = arith.mulf %dot_general3A_34, %mul3A_47 : vector<512x64xf32>
      %convert_element_type3A_49 = arith.truncf %mul3A_48 : vector<512x64xf32> to vector<512x64xbf16>
      %get3A_50 = arith.constant 0 : index
      %get3A_51 = arith.constant 0 : index
      %get3A_52 = vector.load %arg6[%get3A_50, %get3A_51] : memref<64x1024xf32, #tpu.memory_space<vmem>>, vector<64x1024xf32>
      %convert_element_type3A_53 = arith.truncf %get3A_52 : vector<64x1024xf32> to vector<64x1024xbf16>
      %dot_general3A_54 = arith.constant dense<0.000000e+00> : vector<512x1024xf32>
      %dot_general3A_55 = tpu.matmul %convert_element_type3A_49, %convert_element_type3A_53, %dot_general3A_54 {dimension_numbers = #tpu.dot_dimension_numbers<[1], [0], [0], [1], [0, 0, 1, 1], [], []>, transpose_lhs_hint = false} : vector<512x64xbf16>, vector<64x1024xbf16>, vector<512x1024xf32> -> vector<512x1024xf32>
      %add3A = arith.addf %get3A_46, %dot_general3A_55 : vector<512x1024xf32>
      %swap3A_56 = arith.index_cast %mul3A_3 : i32 to index
      %swap3A_57 = arith.constant 0 : index
      %swap3A_58 = vector.load %arg9[%swap3A_56, %swap3A_57] : memref<2048x1024xf32, #tpu.memory_space<vmem>>, vector<512x1024xf32>
      tpu.vector_store %arg9[%swap3A_56, %swap3A_57], %add3A {strides = array<i32>} : memref<2048x1024xf32, #tpu.memory_space<vmem>>, vector<512x1024xf32>,
    } else {
    }
    %not3A = arith.constant true
    %not3A_9 = arith.xori %ne3A_2, %not3A : i1
    %convert_element_type3A_10 = arith.extui %not3A_9 : i1 to i32
    %cond3A_11 = arith.constant 0 : i32
    %cond3A_12 = arith.cmpi ne, %convert_element_type3A_10, %cond3A_11 : i32
    scf.if %cond3A_12 {
      %broadcast_in_dim3A = arith.constant 0.000000e+00 : f32
      %broadcast_in_dim3A_13 = vector.broadcast %broadcast_in_dim3A : f32 to vector<512x2048xf32>
      %swap3A = arith.constant 0 : index
      %swap3A_14 = arith.constant 0 : index
      %swap3A_15 = arith.constant 0 : index
      %swap3A_16 = arith.constant 0 : index
      %swap3A_17 = vector.load %arg8[%swap3A, %swap3A_14, %swap3A_15, %swap3A_16] : memref<1x1x512x2048xf32, #tpu.memory_space<vmem>>, vector<1x1x512x2048xf32>
      %swap3A_18 = vector.shape_cast %swap3A_17 : vector<1x1x512x2048xf32> to vector<512x2048xf32>
      %swap3A_19 = vector.shape_cast %broadcast_in_dim3A_13 : vector<512x2048xf32> to vector<1x1x512x2048xf32>
      tpu.vector_store %arg8[%swap3A, %swap3A_14, %swap3A_15, %swap3A_16], %swap3A_19 {strides = array<i32>} : memref<1x1x512x2048xf32, #tpu.memory_space<vmem>>, vector<1x1x512x2048xf32>,
    } else {
    }
    return
  }
  func.func @transform_0(%arg0: i32, %arg1: i32) -> (i32, i32) {
    %c0_i32 = arith.constant 0 : i32
    %c0_i32_0 = arith.constant 0 : i32
    %c0_i32_1 = arith.constant 0 : i32
    return %c0_i32, %c0_i32_0 : i32, i32
  }
  func.func @transform_1(%arg0: i32, %arg1: i32) -> (i32, i32) {
    %c0_i32 = arith.constant 0 : i32
    return %arg0, %arg1 : i32, i32
  }
  func.func @transform_2(%arg0: i32, %arg1: i32) -> (i32, i32) {
    %c0_i32 = arith.constant 0 : i32
    %c0_i32_0 = arith.constant 0 : i32
    return %arg0, %c0_i32 : i32, i32
  }
  func.func @transform_3(%arg0: i32, %arg1: i32) -> (i32, i32) {
    %add3A = arith.constant 16 : i32
    %add3A_0 = arith.addi %add3A, %arg0 : i32
    %c0_i32 = arith.constant 0 : i32
    %c0_i32_1 = arith.constant 0 : i32
    return %add3A_0, %c0_i32 : i32, i32
  }
  func.func @transform_4(%arg0: i32, %arg1: i32) -> (i32, i32) {
    %c0_i32 = arith.constant 0 : i32
    %c0_i32_0 = arith.constant 0 : i32
    return %arg0, %c0_i32 : i32, i32
  }
  func.func @transform_5(%arg0: i32, %arg1: i32) -> (i32, i32) {
    %c0_i32 = arith.constant 0 : i32
    %c0_i32_0 = arith.constant 0 : i32
    %c0_i32_1 = arith.constant 0 : i32
    return %c0_i32, %c0_i32_0 : i32, i32
  }
  func.func @transform_6(%arg0: i32, %arg1: i32) -> (i32, i32, i32, i32) {
    %c0_i32 = arith.constant 0 : i32
    %c0_i32_0 = arith.constant 0 : i32
    %c0_i32_1 = arith.constant 0 : i32
    return %c0_i32, %arg0, %arg1, %c0_i32_0 : i32, i32, i32, i32
  }
  func.func @transform_7(%arg0: i32, %arg1: i32) -> (i32, i32) {
    %c0_i32 = arith.constant 0 : i32
    %c0_i32_0 = arith.constant 0 : i32
    %c0_i32_1 = arith.constant 0 : i32
    return %c0_i32, %c0_i32_0 : i32, i32
  }
}

</mosaic_0001>

<sc_bundles>
// kernel: kernel.6.cloned.1.call-start
scs
__scs_entry_jumppad:
0x0: {  	(pc) =	sbr.rel $0x88, $3  }
0x1: {  	(tag) =	ssettag $0x0;
	lr =	simm.s32 $0x1  }
0x2: {  	[smem:$0x3F9C] =	sst lr;
	_ =	strace $0xD0000000  }
0x3: {  	_ = 	snop  }
0x4: {  	_ = 	snop  }
0x5: {  	_ = 	snop  }
0x6: {  	_ = 	snop  }
0x7: {  	_ = 	snop  }
__scs_overlays_trampoline_lowered:
0x8: {  	[smem:$0x3FAB] =	sst s0  }
0x9: {  	[smem:$0x3FAC] =	sst s1  }
0xa: {  	[smem:$0x3FAD] =	sst s2  }
0xb: {  	[smem:$0x3FAE] =	sst s3  }
0xc: {  	[smem:$0x3FAF] =	sst s4  }
0xd: {  	[smem:$0x3FB0] =	sst s5  }
0xe: {  	[smem:$0x3FB1] =	sst s6  }
0xf: {  	[smem:$0x3FB2] =	sst s7  }
0x10: {  	[smem:$0x3FB3] =	sst s8  }
0x11: {  	[smem:$0x3FB4] =	sst s9;
	s0 =	simm.s32 @!p0 $0x0  }
0x12: {  	s1 =	sld [smem:$0x3F9A];
	s0 =	simm.s32 @p0 $0x1  }
0x13: {  	[smem:$0x3FB5] =	sst s0;
	s0 =	simm.s32 @!p1 $0x0  }
0x14: {  	s2 =	sld [smem:$0x3F99];
	s0 =	simm.s32 @p1 $0x1  }
0x15: {  	[smem:$0x3FB6] =	sst s0;
	s0 =	simm.s32 @!p2 $0x0  }
0x16: {  	s3 =	sld [smem:$0x3FDB];
	s0 =	simm.s32 @p2 $0x1  }
0x17: {  	s4 =	simm.s32 $0x1BF5;
	[smem:$0x3FB8] =	sst s0  }
0x18: {  	s0 =	sld [smem:$0x3F9B];
	_ =	swait.ge [sflag:s4], $0x0  }
0x19: {  	s7 =	sld [smem:$0x3F9C]  }
0x1a: {  	s8 =	sadd.s32 $0xFFFFE003, lr  }
0x1b: {  	s9 =	sadd.s32 $0xFFFFFEF7, lr;
	s5 =	simm.s32 $0xFFFFFFFF;
	p2 =	slt.u32 s8, $0xFFFFF086  }
0x1c: {  	p1 =	slt.u32 s9, $0xF7A;
	s5 =	simm.s32 @!p2 $0x0  }
0x1d: {  	s5 =	simm.s32 @p1 $0x1;
	p0 =	seq.s32 s7, s2  }
0x1e: {  	s7 =	smul.u32 @!p0 $0xF7A, s2;
	p2 =	seq.s32 @!p0 s5, $0x0  }
0x1f: {  	s9 =	smul.u32 $0xF7A, s1;
	s8 =	simm.s32 @!p0 $0x1BF5;
	p2 =	por !p2, p0  }
0x20: {  	[sflag:s8] =	ssyncset.s32 @!p0 $0xFFFFF086;
	s6 =	sadd.s32 @!p0 s3, s7;
	s7 =	simm.s32 @!p0 $0x108  }
0x21: {  	s3 =	sadd.s32 s3, s9;
	s6 =	sadd.s32 @!p0 $0x88, s6;
	s7 =	simm.s32 @p2 $0x1082  }
0x22: {  	[simem:s7], [sflag:s8] =	dma.local @!p0 [hbm:s6], $0xF7A  }
0x23: {  	s9 =	sor.u32 $0xD0000000, s2;
	s6 =	simm.s32 $0x108;
	_ =	swait.ge @!p0 [sflag:s8], $0x0  }
0x24: {  	s3 =	sadd.s32 $0x88, s3;
	s6 =	simm.s32 @!p1 $0x1082;
	[sflag:s4] =	ssyncset.s32 $0xFFFFF086  }
0x25: {  	[simem:s6], [sflag:s4] =	dma.local [hbm:s3], $0xF7A  }
0x26: {  	[smem:$0x3F9C] =	sst s1;
	(tag) =	ssettag s2;
	_ =	strace s9  }
0x27: {  	s1 =	sld [smem:$0x3FAC]  }
0x28: {  	s2 =	sld [smem:$0x3FAD]  }
0x29: {  	s4 =	sld [smem:$0x3FAF]  }
0x2a: {  	p0 =	seq.s32 s5, $0x0;
	s5 =	sld [smem:$0x3FB0]  }
0x2b: {  	s6 =	sld [smem:$0x3FB1]  }
0x2c: {  	s7 =	sld [smem:$0x3FB2]  }
0x2d: {  	s3 =	simm.s32 $0x108;
	s8 =	sld [smem:$0x3FB3]  }
0x2e: {  	s3 =	simm.s32 @!p0 $0x1082;
	s9 =	sld [smem:$0x3FB4]  }
0x2f: {  	lr =	sadd.s32 s0, s3;
	s0 =	sld [smem:$0x3FAB]  }
0x30: {  	s3 =	sld [smem:$0x3FAE]  }
0x31: {  	[smem:$0x3FB7] =	sst s10  }
0x32: {  	s10 =	sld [smem:$0x3FB5];
	_ =	sdelay $0x3  }
0x33: {  	p0 =	seq.s32 s10, $0x1;
	s10 =	sld [smem:$0x3FB7];
	_ =	sdelay $0x3  }
0x34: {  	[smem:$0x3FB7] =	sst s10  }
0x35: {  	s10 =	sld [smem:$0x3FB6];
	_ =	sdelay $0x3  }
0x36: {  	p1 =	seq.s32 s10, $0x1;
	s10 =	sld [smem:$0x3FB7];
	_ =	sdelay $0x3  }
0x37: {  	[smem:$0x3FB7] =	sst s10  }
0x38: {  	s10 =	sld [smem:$0x3FB8]  }
0x39: {  	_ = 	snop;
	(pc) =	sbr.ind lr, $3  }
0x3a: {  	_ = 	snop  }
0x3b: {  	_ = 	snop  }
0x3c: {  	p2 =	seq.s32 s10, $0x1;
	s10 =	sld [smem:$0x3FB7]  }
0x3d: {  	_ =	shalt  }
0x3e: {  	_ =	shalt  }
0x3f: {  	_ =	shalt  }
0x40: {  	_ =	shalt  }
0x41: {  	_ =	shalt  }
0x42: {  	_ =	shalt  }
0x43: {  	_ =	shalt  }
0x44: {  	_ =	shalt  }
0x45: {  	_ =	shalt  }
0x46: {  	_ =	shalt  }
0x47: {  	_ =	shalt  }
0x48: {  	_ =	shalt  }
0x49: {  	_ =	shalt  }
0x4a: {  	_ =	shalt  }
0x4b: {  	_ =	shalt  }
0x4c: {  	_ =	shalt  }
0x4d: {  	_ =	shalt  }
0x4e: {  	_ =	shalt  }
0x4f: {  	_ =	shalt  }
0x50: {  	_ =	shalt  }
0x51: {  	_ =	shalt  }
0x52: {  	_ =	shalt  }
0x53: {  	_ =	shalt  }
0x54: {  	_ =	shalt  }
0x55: {  	_ =	shalt  }
0x56: {  	_ =	shalt  }
0x57: {  	_ =	shalt  }
0x58: {  	_ =	shalt  }
0x59: {  	_ =	shalt  }
0x5a: {  	_ =	shalt  }
0x5b: {  	_ =	shalt  }
0x5c: {  	_ =	shalt  }
0x5d: {  	_ =	shalt  }
0x5e: {  	_ =	shalt  }
0x5f: {  	_ =	shalt  }
0x60: {  	_ =	shalt  }
0x61: {  	_ =	shalt  }
0x62: {  	_ =	shalt  }
0x63: {  	_ =	shalt  }
0x64: {  	_ =	shalt  }
0x65: {  	_ =	shalt  }
0x66: {  	_ =	shalt  }
0x67: {  	_ =	shalt  }
0x68: {  	_ =	shalt  }
0x69: {  	_ =	shalt  }
0x6a: {  	_ =	shalt  }
0x6b: {  	_ =	shalt  }
0x6c: {  	_ =	shalt  }
0x6d: {  	_ =	shalt  }
0x6e: {  	_ =	shalt  }
0x6f: {  	_ =	shalt  }
0x70: {  	_ =	shalt  }
0x71: {  	_ =	shalt  }
0x72: {  	_ =	shalt  }
0x73: {  	_ =	shalt  }
0x74: {  	_ =	shalt  }
0x75: {  	_ =	shalt  }
0x76: {  	_ =	shalt  }
0x77: {  	_ =	shalt  }
0x78: {  	_ =	shalt  }
0x79: {  	_ =	shalt  }
0x7a: {  	_ =	shalt  }
0x7b: {  	_ =	shalt  }
0x7c: {  	_ =	shalt  }
0x7d: {  	_ =	shalt  }
0x7e: {  	_ =	shalt  }
0x7f: {  	_ =	shalt  }
0x80: {  	_ =	shalt  }
0x81: {  	_ =	shalt  }
0x82: {  	_ =	shalt  }
0x83: {  	_ =	shalt  }
0x84: {  	_ =	shalt  }
0x85: {  	_ =	shalt  }
0x86: {  	_ =	shalt  }
0x87: {  	_ =	shalt  }
.Lfunc_end0:
.L_simem_size_0:
called_computation_lowered:
.L_overlay_start_0:
0x88: {  	s0 =	sld [smem:$0x3FD9]  }
0x89: {  	s1 =	sld [smem:$0x3FFE];
	_ =	sdelay $0x3  }
0x8a: {  	s0 =	sadd.s32 s1, s0  }
0x8b: {  	[smem:$0x3FC3] =	sst s0  }
0x8c: {  	_ = 	snop  }
0x8d: {  	s0 =	sld [smem:$0x3FD0];
	_ =	sdelay $0x2  }
0x8e: {  	s4 =	simm.s32 $0xA;
	s2 =	simm.s32 $0x110  }
0x8f: {  	[smem:s2], [sflag:s4] =	dma.local [hbm:s0], $0x1  }
0x90: {  	_ =	swait.eq [sflag:s4], $0x1  }
0x91: {  	[sflag:s4] =	ssyncset.done $0x0  }
0x92: {  	[sflag:s4] =	ssyncadd.s32 $0xFFFFFFFF  }
0x93: {  	s5 =	sld [smem:$0x111];
	(tm) =	ssettm $0x1  }
0x94: {  	s6 =	sld [smem:$0x3FFB];
	_ =	sdelay $0x3  }
0x95: {  	_ =	strace s6  }
0x96: {  	s0 =	sld [smem:$0x3FFC];
	_ =	sdelay $0x3  }
0x97: {  	_ =	strace s0  }
0x98: {  	s0 =	sld [smem:$0x3FFD];
	_ =	sdelay $0x3  }
0x99: {  	_ =	strace s0  }
0x9a: {  	s7 =	simm.s32 $0x1B8B;
	_ =	strace $0x8FFFFFFF  }
0x9b: {  	_ =	swait.ge [sflag:s7], $0x1  }
0x9c: {  	[sflag:s7] =	ssyncset.done $0x0  }
0x9d: {  	s8 =	simm.s32 $0x1B8E;
	[sflag:s7] =	ssyncadd.s32 $0xFFFFFFFF  }
0x9e: {  	s3 =	simm.s32 $0x10;
	[smem:$0x3FD2] =	sst s8  }
0x9f: {  	s0 =	simm.s32 $0x9;
	s1 =	sld [smem:$0x3FFE];
	_ =	strace $0x80000046  }
0xa0: {  	[smem:s3], [sflag:s0] =	dma.local [hbm:s5], $0x10  }
0xa1: {  	_ =	swait.ge [sflag:s0], $0x10  }
0xa2: {  	[sflag:s0] =	ssyncset.done $0x0  }
0xa3: {  	[sflag:s0] =	ssyncadd.s32 $0xFFFFFFF0  }
0xa4: {  	s9 =	sld [smem:$0x10]  }
0xa5: {  	s10 =	sld [smem:$0x11]  }
0xa6: {  	s4 =	sld [smem:$0x12]  }
0xa7: {  	s5 =	sld [smem:$0x13]  }
0xa8: {  	s11 =	sld [smem:$0x14]  }
0xa9: {  	s12 =	sld [smem:$0x15]  }
0xaa: {  	s13 =	sld [smem:$0x16]  }
0xab: {  	s14 =	sld [smem:$0x17]  }
0xac: {  	s15 =	sld [smem:$0x18]  }
0xad: {  	s16 =	sld [smem:$0x19]  }
0xae: {  	s8 =	sld [smem:$0x1A]  }
0xaf: {  	s17 =	sld [smem:$0x1B]  }
0xb0: {  	s18 =	sld [smem:$0x1C]  }
0xb1: {  	s19 =	sld [smem:$0x1D]  }
0xb2: {  	s20 =	sld [smem:$0x1E]  }
0xb3: {  	s6 =	simm.s32 $0x1;
	s7 =	simm.s32 $0x1;
	s21 =	sld [smem:$0x1F]  }
0xb4: {  	s3 =	simm.s32 $0x1;
	p0 =	sgt.f32 s10, s9;
	p1 =	sgt.f32 s4, s9  }
0xb5: {  	s4 =	simm.s32 $0x1;
	p2 =	sgt.f32 s5, s9;
	s5 =	simm.s32 $0x1  }
0xb6: {  	s4 =	simm.s32 @!p0 $0x0;
	s6 =	simm.s32 @!p1 $0x0;
	p0 =	sgt.f32 s11, s9  }
0xb7: {  	s7 =	simm.s32 @!p2 $0x0;
	p1 =	sgt.f32 s12, s9;
	p2 =	sgt.f32 s8, s9  }
0xb8: {  	s8 =	simm.s32 $0x1;
	s4 =	sadd.s32 s4, s6;
	s6 =	simm.s32 $0x1  }
0xb9: {  	s4 =	sadd.s32 s7, s4;
	s6 =	simm.s32 @!p0 $0x0;
	s7 =	simm.s32 $0x1  }
0xba: {  	p0 =	sgt.f32 s13, s9;
	s4 =	sadd.s32 s6, s4;
	s7 =	simm.s32 @!p1 $0x0  }
0xbb: {  	s6 =	simm.s32 $0x1;
	p1 =	sgt.f32 s14, s9;
	s4 =	sadd.s32 s7, s4  }
0xbc: {  	s6 =	simm.s32 @!p0 $0x0;
	s7 =	simm.s32 $0x1;
	p0 =	sgt.f32 s15, s9  }
0xbd: {  	s4 =	sadd.s32 s6, s4;
	s7 =	simm.s32 @!p1 $0x0;
	p1 =	sgt.f32 s16, s9  }
0xbe: {  	s6 =	simm.s32 $0x1;
	s4 =	sadd.s32 s7, s4;
	s3 =	simm.s32 @!p0 $0x0  }
0xbf: {  	s8 =	simm.s32 @!p2 $0x0;
	s6 =	simm.s32 @!p1 $0x0;
	s3 =	sadd.s32 s3, s4  }
0xc0: {  	p0 =	sgt.f32 s17, s9;
	p1 =	sgt.f32 s18, s9;
	s3 =	sadd.s32 s6, s3  }
0xc1: {  	s4 =	simm.s32 $0x1;
	s6 =	simm.s32 $0x1;
	s3 =	sadd.s32 s8, s3  }
0xc2: {  	s6 =	simm.s32 @!p0 $0x0;
	s8 =	simm.s32 $0x1;
	p0 =	sgt.f32 s19, s9  }
0xc3: {  	s3 =	sadd.s32 s6, s3;
	s8 =	simm.s32 @!p1 $0x0;
	p1 =	sgt.f32 s20, s9  }
0xc4: {  	s3 =	sadd.s32 s8, s3;
	s4 =	simm.s32 @!p0 $0x0;
	p0 =	sgt.f32 s21, s9  }
0xc5: {  	s22 =	sadd.s32 s4, s3;
	s5 =	simm.s32 @!p1 $0x0;
	s3 =	simm.s32 $0x1  }
0xc6: {  	s2 =	sadd.s32 s5, s22;
	s3 =	simm.s32 @!p0 $0x0  }
0xc7: {  	s2 =	sadd.s32 s3, s2  }
0xc8: {  	p0 =	slt.u32 s2, $0x8;
	s2 =	simm.s32 $0x1  }
0xc9: {  	s2 =	simm.s32 @!p0 $0x0  }
0xca: {  	[smem:$0x90] =	sst s2  }
0xcb: {  	s2 =	sld [smem:$0x11]  }
0xcc: {  	s23 =	sld [smem:$0x10]  }
0xcd: {  	s24 =	sld [smem:$0x12]  }
0xce: {  	s25 =	sld [smem:$0x13]  }
0xcf: {  	s26 =	sld [smem:$0x14]  }
0xd0: {  	s28 =	sld [smem:$0x15]  }
0xd1: {  	s29 =	sld [smem:$0x16]  }
0xd2: {  	s30 =	sld [smem:$0x17]  }
0xd3: {  	s31 =	sld [smem:$0x18]  }
0xd4: {  	s8 =	sld [smem:$0x19]  }
0xd5: {  	s9 =	sld [smem:$0x1A]  }
0xd6: {  	s10 =	sld [smem:$0x1B]  }
0xd7: {  	s11 =	sld [smem:$0x1C]  }
0xd8: {  	s7 =	simm.s32 $0x1;
	s12 =	sld [smem:$0x1D]  }
0xd9: {  	s6 =	simm.s32 $0x1;
	s13 =	sld [smem:$0x1E];
	p0 =	sge.f32 s23, s2  }
0xda: {  	s4 =	simm.s32 $0x1;
	p1 =	sgt.f32 s24, s2;
	p2 =	sgt.f32 s25, s2  }
0xdb: {  	s5 =	simm.s32 $0x1;
	s3 =	simm.s32 $0x1;
	s14 =	sld [smem:$0x1F]  }
0xdc: {  	s4 =	simm.s32 @!p0 $0x0;
	s6 =	simm.s32 @!p1 $0x0;
	s7 =	simm.s32 @!p2 $0x0  }
0xdd: {  	p0 =	sgt.f32 s26, s2;
	p1 =	sgt.f32 s28, s2;
	s4 =	sadd.s32 s4, s6  }
0xde: {  	p2 =	sgt.f32 s9, s2;
	s6 =	simm.s32 $0x1;
	s4 =	sadd.s32 s7, s4  }
0xdf: {  	s6 =	simm.s32 @!p0 $0x0;
	s7 =	simm.s32 $0x1;
	p0 =	sgt.f32 s29, s2  }
0xe0: {  	s4 =	sadd.s32 s6, s4;
	s7 =	simm.s32 @!p1 $0x0;
	s6 =	simm.s32 $0x1  }
0xe1: {  	p1 =	sgt.f32 s30, s2;
	s4 =	sadd.s32 s7, s4;
	s6 =	simm.s32 @!p0 $0x0  }
0xe2: {  	s7 =	simm.s32 $0x1;
	p0 =	sgt.f32 s31, s2;
	s4 =	sadd.s32 s6, s4  }
0xe3: {  	s7 =	simm.s32 @!p1 $0x0;
	p1 =	sgt.f32 s8, s2;
	s6 =	simm.s32 $0x1  }
0xe4: {  	s8 =	simm.s32 $0x1;
	s4 =	sadd.s32 s7, s4;
	s3 =	simm.s32 @!p0 $0x0  }
0xe5: {  	s8 =	simm.s32 @!p2 $0x0;
	s6 =	simm.s32 @!p1 $0x0;
	s3 =	sadd.s32 s3, s4  }
0xe6: {  	p0 =	sgt.f32 s10, s2;
	p1 =	sgt.f32 s11, s2;
	s3 =	sadd.s32 s6, s3  }
0xe7: {  	s4 =	simm.s32 $0x1;
	s6 =	simm.s32 $0x1;
	s3 =	sadd.s32 s8, s3  }
0xe8: {  	s6 =	simm.s32 @!p0 $0x0;
	s8 =	simm.s32 $0x1;
	p0 =	sgt.f32 s12, s2  }
0xe9: {  	s3 =	sadd.s32 s6, s3;
	s8 =	simm.s32 @!p1 $0x0;
	p1 =	sgt.f32 s13, s2  }
0xea: {  	s3 =	sadd.s32 s8, s3;
	s4 =	simm.s32 @!p0 $0x0;
	p0 =	sgt.f32 s14, s2  }
0xeb: {  	s15 =	sadd.s32 s4, s3;
	s5 =	simm.s32 @!p1 $0x0;
	s3 =	simm.s32 $0x1  }
0xec: {  	s2 =	sadd.s32 s5, s15;
	s3 =	simm.s32 @!p0 $0x0  }
0xed: {  	s2 =	sadd.s32 s3, s2  }
0xee: {  	p0 =	slt.u32 s2, $0x8;
	s2 =	simm.s32 $0x1  }
0xef: {  	s2 =	simm.s32 @!p0 $0x0  }
0xf0: {  	[smem:$0x91] =	sst s2  }
0xf1: {  	s2 =	sld [smem:$0x12]  }
0xf2: {  	s16 =	sld [smem:$0x10]  }
0xf3: {  	s17 =	sld [smem:$0x11]  }
0xf4: {  	s18 =	sld [smem:$0x13]  }
0xf5: {  	s19 =	sld [smem:$0x14]  }
0xf6: {  	s20 =	sld [smem:$0x15]  }
0xf7: {  	s21 =	sld [smem:$0x16]  }
0xf8: {  	s22 =	sld [smem:$0x17]  }
0xf9: {  	s23 =	sld [smem:$0x18]  }
0xfa: {  	s24 =	sld [smem:$0x19]  }
0xfb: {  	s25 =	sld [smem:$0x1A]  }
0xfc: {  	s26 =	sld [smem:$0x1B]  }
0xfd: {  	s7 =	simm.s32 $0x1;
	s6 =	simm.s32 $0x1;
	s28 =	sld [smem:$0x1C]  }
0xfe: {  	s8 =	simm.s32 $0x1;
	s4 =	simm.s32 $0x1;
	s29 =	sld [smem:$0x1D]  }
0xff: {  	s5 =	simm.s32 $0x1;
	p0 =	sge.f32 s16, s2;
	p1 =	sge.f32 s17, s2  }
0x100: {  	s3 =	simm.s32 $0x1;
	s30 =	sld [smem:$0x1E];
	p2 =	sgt.f32 s18, s2  }
0x101: {  	s31 =	sld [smem:$0x1F];
	s4 =	simm.s32 @!p0 $0x0;
	s6 =	simm.s32 @!p1 $0x0  }
0x102: {  	s7 =	simm.s32 @!p2 $0x0;
	p0 =	sgt.f32 s19, s2;
	p1 =	sgt.f32 s20, s2  }
0x103: {  	p2 =	sgt.f32 s25, s2;
	s4 =	sadd.s32 s4, s6;
	s6 =	simm.s32 $0x1  }
0x104: {  	s4 =	sadd.s32 s7, s4;
	s6 =	simm.s32 @!p0 $0x0;
	s7 =	simm.s32 $0x1  }
0x105: {  	p0 =	sgt.f32 s21, s2;
	s4 =	sadd.s32 s6, s4;
	s7 =	simm.s32 @!p1 $0x0  }
0x106: {  	s6 =	simm.s32 $0x1;
	p1 =	sgt.f32 s22, s2;
	s4 =	sadd.s32 s7, s4  }
0x107: {  	s6 =	simm.s32 @!p0 $0x0;
	s7 =	simm.s32 $0x1;
	p0 =	sgt.f32 s23, s2  }
0x108: {  	s4 =	sadd.s32 s6, s4;
	s7 =	simm.s32 @!p1 $0x0;
	p1 =	sgt.f32 s24, s2  }
0x109: {  	s6 =	simm.s32 $0x1;
	s4 =	sadd.s32 s7, s4;
	s3 =	simm.s32 @!p0 $0x0  }
0x10a: {  	s8 =	simm.s32 @!p2 $0x0;
	s6 =	simm.s32 @!p1 $0x0;
	s3 =	sadd.s32 s3, s4  }
0x10b: {  	p0 =	sgt.f32 s26, s2;
	p1 =	sgt.f32 s28, s2;
	s3 =	sadd.s32 s6, s3  }
0x10c: {  	s4 =	simm.s32 $0x1;
	s6 =	simm.s32 $0x1;
	s3 =	sadd.s32 s8, s3  }
0x10d: {  	s6 =	simm.s32 @!p0 $0x0;
	s8 =	simm.s32 $0x1;
	p0 =	sgt.f32 s29, s2  }
0x10e: {  	s3 =	sadd.s32 s6, s3;
	s8 =	simm.s32 @!p1 $0x0;
	p1 =	sgt.f32 s30, s2  }
0x10f: {  	s3 =	sadd.s32 s8, s3;
	s4 =	simm.s32 @!p0 $0x0;
	p0 =	sgt.f32 s31, s2  }
0x110: {  	s6 =	sadd.s32 s4, s3;
	s5 =	simm.s32 @!p1 $0x0;
	s3 =	simm.s32 $0x1  }
0x111: {  	s2 =	sadd.s32 s5, s6;
	s3 =	simm.s32 @!p0 $0x0  }
0x112: {  	s2 =	sadd.s32 s3, s2  }
0x113: {  	p0 =	slt.u32 s2, $0x8;
	s2 =	simm.s32 $0x1  }
0x114: {  	s2 =	simm.s32 @!p0 $0x0  }
0x115: {  	[smem:$0x92] =	sst s2  }
0x116: {  	s2 =	sld [smem:$0x13]  }
0x117: {  	s7 =	sld [smem:$0x10]  }
0x118: {  	s8 =	sld [smem:$0x11]  }
0x119: {  	s9 =	sld [smem:$0x12]  }
0x11a: {  	s10 =	sld [smem:$0x14]  }
0x11b: {  	s11 =	sld [smem:$0x15]  }
0x11c: {  	s12 =	sld [smem:$0x16]  }
0x11d: {  	s13 =	sld [smem:$0x17]  }
0x11e: {  	s14 =	sld [smem:$0x18]  }
0x11f: {  	s15 =	sld [smem:$0x19]  }
0x120: {  	s16 =	sld [smem:$0x1A]  }
0x121: {  	s17 =	sld [smem:$0x1B]  }
0x122: {  	s18 =	sld [smem:$0x1C]  }
0x123: {  	s4 =	simm.s32 $0x1;
	s19 =	sld [smem:$0x1D]  }
0x124: {  	s6 =	simm.s32 $0x1;
	s5 =	simm.s32 $0x1;
	s20 =	sld [smem:$0x1E]  }
0x125: {  	s3 =	simm.s32 $0x1;
	p0 =	sge.f32 s7, s2;
	p1 =	sge.f32 s8, s2  }
0x126: {  	s21 =	sld [smem:$0x1F];
	p2 =	sge.f32 s9, s2;
	s7 =	simm.s32 $0x1  }
0x127: {  	s8 =	simm.s32 $0x1;
	s4 =	simm.s32 @!p0 $0x0;
	s6 =	simm.s32 @!p1 $0x0  }
0x128: {  	s7 =	simm.s32 @!p2 $0x0;
	p0 =	sgt.f32 s10, s2;
	p1 =	sgt.f32 s11, s2  }
0x129: {  	p2 =	sgt.f32 s16, s2;
	s4 =	sadd.s32 s4, s6;
	s6 =	simm.s32 $0x1  }
0x12a: {  	s4 =	sadd.s32 s7, s4;
	s6 =	simm.s32 @!p0 $0x0;
	s7 =	simm.s32 $0x1  }
0x12b: {  	p0 =	sgt.f32 s12, s2;
	s4 =	sadd.s32 s6, s4;
	s7 =	simm.s32 @!p1 $0x0  }
0x12c: {  	s6 =	simm.s32 $0x1;
	p1 =	sgt.f32 s13, s2;
	s4 =	sadd.s32 s7, s4  }
0x12d: {  	s6 =	simm.s32 @!p0 $0x0;
	s7 =	simm.s32 $0x1;
	p0 =	sgt.f32 s14, s2  }
0x12e: {  	s4 =	sadd.s32 s6, s4;
	s7 =	simm.s32 @!p1 $0x0;
	p1 =	sgt.f32 s15, s2  }
0x12f: {  	s6 =	simm.s32 $0x1;
	s4 =	sadd.s32 s7, s4;
	s3 =	simm.s32 @!p0 $0x0  }
0x130: {  	s8 =	simm.s32 @!p2 $0x0;
	s6 =	simm.s32 @!p1 $0x0;
	s3 =	sadd.s32 s3, s4  }
0x131: {  	p0 =	sgt.f32 s17, s2;
	p1 =	sgt.f32 s18, s2;
	s3 =	sadd.s32 s6, s3  }
0x132: {  	s4 =	simm.s32 $0x1;
	s6 =	simm.s32 $0x1;
	s3 =	sadd.s32 s8, s3  }
0x133: {  	s6 =	simm.s32 @!p0 $0x0;
	s8 =	simm.s32 $0x1;
	p0 =	sgt.f32 s19, s2  }
0x134: {  	s3 =	sadd.s32 s6, s3;
	s8 =	simm.s32 @!p1 $0x0;
	p1 =	sgt.f32 s20, s2  }
0x135: {  	s3 =	sadd.s32 s8, s3;
	s4 =	simm.s32 @!p0 $0x0;
	p0 =	sgt.f32 s21, s2  }
0x136: {  	s22 =	sadd.s32 s4, s3;
	s5 =	simm.s32 @!p1 $0x0;
	s3 =	simm.s32 $0x1  }
0x137: {  	s2 =	sadd.s32 s5, s22;
	s3 =	simm.s32 @!p0 $0x0  }
0x138: {  	s2 =	sadd.s32 s3, s2  }
0x139: {  	p0 =	slt.u32 s2, $0x8;
	s2 =	simm.s32 $0x1  }
0x13a: {  	s2 =	simm.s32 @!p0 $0x0  }
0x13b: {  	[smem:$0x93] =	sst s2  }
0x13c: {  	s2 =	sld [smem:$0x14]  }
0x13d: {  	s23 =	sld [smem:$0x10]  }
0x13e: {  	s24 =	sld [smem:$0x11]  }
0x13f: {  	s25 =	sld [smem:$0x12]  }
0x140: {  	s26 =	sld [smem:$0x13]  }
0x141: {  	s28 =	sld [smem:$0x15]  }
0x142: {  	s29 =	sld [smem:$0x16]  }
0x143: {  	s30 =	sld [smem:$0x17]  }
0x144: {  	s31 =	sld [smem:$0x18]  }
0x145: {  	s8 =	sld [smem:$0x19]  }
0x146: {  	s9 =	sld [smem:$0x1A]  }
0x147: {  	s10 =	sld [smem:$0x1B]  }
0x148: {  	s11 =	sld [smem:$0x1C]  }
0x149: {  	s7 =	simm.s32 $0x1;
	s12 =	sld [smem:$0x1D]  }
0x14a: {  	s6 =	simm.s32 $0x1;
	s13 =	sld [smem:$0x1E];
	p0 =	sge.f32 s23, s2  }
0x14b: {  	s4 =	simm.s32 $0x1;
	p1 =	sge.f32 s24, s2;
	p2 =	sge.f32 s25, s2  }
0x14c: {  	s5 =	simm.s32 $0x1;
	s3 =	simm.s32 $0x1;
	s14 =	sld [smem:$0x1F]  }
0x14d: {  	s4 =	simm.s32 @!p0 $0x0;
	s6 =	simm.s32 @!p1 $0x0;
	s7 =	simm.s32 @!p2 $0x0  }
0x14e: {  	p0 =	sge.f32 s26, s2;
	p1 =	sgt.f32 s28, s2;
	s4 =	sadd.s32 s4, s6  }
0x14f: {  	p2 =	sgt.f32 s9, s2;
	s6 =	simm.s32 $0x1;
	s4 =	sadd.s32 s7, s4  }
0x150: {  	s6 =	simm.s32 @!p0 $0x0;
	s7 =	simm.s32 $0x1;
	p0 =	sgt.f32 s29, s2  }
0x151: {  	s4 =	sadd.s32 s6, s4;
	s7 =	simm.s32 @!p1 $0x0;
	s6 =	simm.s32 $0x1  }
0x152: {  	p1 =	sgt.f32 s30, s2;
	s4 =	sadd.s32 s7, s4;
	s6 =	simm.s32 @!p0 $0x0  }
0x153: {  	s7 =	simm.s32 $0x1;
	p0 =	sgt.f32 s31, s2;
	s4 =	sadd.s32 s6, s4  }
0x154: {  	s7 =	simm.s32 @!p1 $0x0;
	p1 =	sgt.f32 s8, s2;
	s6 =	simm.s32 $0x1  }
0x155: {  	s8 =	simm.s32 $0x1;
	s4 =	sadd.s32 s7, s4;
	s3 =	simm.s32 @!p0 $0x0  }
0x156: {  	s8 =	simm.s32 @!p2 $0x0;
	s6 =	simm.s32 @!p1 $0x0;
	s3 =	sadd.s32 s3, s4  }
0x157: {  	p0 =	sgt.f32 s10, s2;
	p1 =	sgt.f32 s11, s2;
	s3 =	sadd.s32 s6, s3  }
0x158: {  	s4 =	simm.s32 $0x1;
	s6 =	simm.s32 $0x1;
	s3 =	sadd.s32 s8, s3  }
0x159: {  	s6 =	simm.s32 @!p0 $0x0;
	s8 =	simm.s32 $0x1;
	p0 =	sgt.f32 s12, s2  }
0x15a: {  	s3 =	sadd.s32 s6, s3;
	s8 =	simm.s32 @!p1 $0x0;
	p1 =	sgt.f32 s13, s2  }
0x15b: {  	s3 =	sadd.s32 s8, s3;
	s4 =	simm.s32 @!p0 $0x0;
	p0 =	sgt.f32 s14, s2  }
0x15c: {  	s15 =	sadd.s32 s4, s3;
	s5 =	simm.s32 @!p1 $0x0;
	s3 =	simm.s32 $0x1  }
0x15d: {  	s2 =	sadd.s32 s5, s15;
	s3 =	simm.s32 @!p0 $0x0  }
0x15e: {  	s2 =	sadd.s32 s3, s2  }
0x15f: {  	p0 =	slt.u32 s2, $0x8;
	s2 =	simm.s32 $0x1  }
0x160: {  	s2 =	simm.s32 @!p0 $0x0  }
0x161: {  	[smem:$0x94] =	sst s2  }
0x162: {  	s2 =	sld [smem:$0x15]  }
0x163: {  	s16 =	sld [smem:$0x10]  }
0x164: {  	s17 =	sld [smem:$0x11]  }
0x165: {  	s18 =	sld [smem:$0x12]  }
0x166: {  	s19 =	sld [smem:$0x13]  }
0x167: {  	s20 =	sld [smem:$0x14]  }
0x168: {  	s21 =	sld [smem:$0x16]  }
0x169: {  	s22 =	sld [smem:$0x17]  }
0x16a: {  	s23 =	sld [smem:$0x18]  }
0x16b: {  	s24 =	sld [smem:$0x19]  }
0x16c: {  	s25 =	sld [smem:$0x1A]  }
0x16d: {  	s26 =	sld [smem:$0x1B]  }
0x16e: {  	s7 =	simm.s32 $0x1;
	s6 =	simm.s32 $0x1;
	s28 =	sld [smem:$0x1C]  }
0x16f: {  	s8 =	simm.s32 $0x1;
	s4 =	simm.s32 $0x1;
	s29 =	sld [smem:$0x1D]  }
0x170: {  	s5 =	simm.s32 $0x1;
	p0 =	sge.f32 s16, s2;
	p1 =	sge.f32 s17, s2  }
0x171: {  	s3 =	simm.s32 $0x1;
	s30 =	sld [smem:$0x1E];
	p2 =	sge.f32 s18, s2  }
0x172: {  	s31 =	sld [smem:$0x1F];
	s4 =	simm.s32 @!p0 $0x0;
	s6 =	simm.s32 @!p1 $0x0  }
0x173: {  	s7 =	simm.s32 @!p2 $0x0;
	p0 =	sge.f32 s19, s2;
	p1 =	sge.f32 s20, s2  }
0x174: {  	p2 =	sgt.f32 s25, s2;
	s4 =	sadd.s32 s4, s6;
	s6 =	simm.s32 $0x1  }
0x175: {  	s4 =	sadd.s32 s7, s4;
	s6 =	simm.s32 @!p0 $0x0;
	s7 =	simm.s32 $0x1  }
0x176: {  	p0 =	sgt.f32 s21, s2;
	s4 =	sadd.s32 s6, s4;
	s7 =	simm.s32 @!p1 $0x0  }
0x177: {  	s6 =	simm.s32 $0x1;
	p1 =	sgt.f32 s22, s2;
	s4 =	sadd.s32 s7, s4  }
0x178: {  	s6 =	simm.s32 @!p0 $0x0;
	s7 =	simm.s32 $0x1;
	p0 =	sgt.f32 s23, s2  }
0x179: {  	s4 =	sadd.s32 s6, s4;
	s7 =	simm.s32 @!p1 $0x0;
	p1 =	sgt.f32 s24, s2  }
0x17a: {  	s6 =	simm.s32 $0x1;
	s4 =	sadd.s32 s7, s4;
	s3 =	simm.s32 @!p0 $0x0  }
0x17b: {  	s8 =	simm.s32 @!p2 $0x0;
	s6 =	simm.s32 @!p1 $0x0;
	s3 =	sadd.s32 s3, s4  }
0x17c: {  	p0 =	sgt.f32 s26, s2;
	p1 =	sgt.f32 s28, s2;
	s3 =	sadd.s32 s6, s3  }
0x17d: {  	s4 =	simm.s32 $0x1;
	s6 =	simm.s32 $0x1;
	s3 =	sadd.s32 s8, s3  }
0x17e: {  	s6 =	simm.s32 @!p0 $0x0;
	s8 =	simm.s32 $0x1;
	p0 =	sgt.f32 s29, s2  }
0x17f: {  	s3 =	sadd.s32 s6, s3;
	s8 =	simm.s32 @!p1 $0x0;
	p1 =	sgt.f32 s30, s2  }
0x180: {  	s3 =	sadd.s32 s8, s3;
	s4 =	simm.s32 @!p0 $0x0;
	p0 =	sgt.f32 s31, s2  }
0x181: {  	s6 =	sadd.s32 s4, s3;
	s5 =	simm.s32 @!p1 $0x0;
	s3 =	simm.s32 $0x1  }
0x182: {  	s2 =	sadd.s32 s5, s6;
	s3 =	simm.s32 @!p0 $0x0  }
0x183: {  	s2 =	sadd.s32 s3, s2  }
0x184: {  	p0 =	slt.u32 s2, $0x8;
	s2 =	simm.s32 $0x1  }
0x185: {  	s2 =	simm.s32 @!p0 $0x0  }
0x186: {  	[smem:$0x95] =	sst s2  }
0x187: {  	s2 =	sld [smem:$0x16]  }
0x188: {  	s7 =	sld [smem:$0x10]  }
0x189: {  	s8 =	sld [smem:$0x11]  }
0x18a: {  	s9 =	sld [smem:$0x12]  }
0x18b: {  	s10 =	sld [smem:$0x13]  }
0x18c: {  	s11 =	sld [smem:$0x14]  }
0x18d: {  	s12 =	sld [smem:$0x15]  }
0x18e: {  	s13 =	sld [smem:$0x17]  }
0x18f: {  	s14 =	sld [smem:$0x18]  }
0x190: {  	s15 =	sld [smem:$0x19]  }
0x191: {  	s16 =	sld [smem:$0x1A]  }
0x192: {  	s17 =	sld [smem:$0x1B]  }
0x193: {  	s18 =	sld [smem:$0x1C]  }
0x194: {  	s4 =	simm.s32 $0x1;
	s19 =	sld [smem:$0x1D]  }
0x195: {  	s6 =	simm.s32 $0x1;
	s5 =	simm.s32 $0x1;
	s20 =	sld [smem:$0x1E]  }
0x196: {  	s3 =	simm.s32 $0x1;
	p0 =	sge.f32 s7, s2;
	p1 =	sge.f32 s8, s2  }
0x197: {  	s21 =	sld [smem:$0x1F];
	p2 =	sge.f32 s9, s2;
	s7 =	simm.s32 $0x1  }
0x198: {  	s8 =	simm.s32 $0x1;
	s4 =	simm.s32 @!p0 $0x0;
	s6 =	simm.s32 @!p1 $0x0  }
0x199: {  	s7 =	simm.s32 @!p2 $0x0;
	p0 =	sge.f32 s10, s2;
	p1 =	sge.f32 s11, s2  }
0x19a: {  	p2 =	sgt.f32 s16, s2;
	s4 =	sadd.s32 s4, s6;
	s6 =	simm.s32 $0x1  }
0x19b: {  	s4 =	sadd.s32 s7, s4;
	s6 =	simm.s32 @!p0 $0x0;
	s7 =	simm.s32 $0x1  }
0x19c: {  	p0 =	sge.f32 s12, s2;
	s4 =	sadd.s32 s6, s4;
	s7 =	simm.s32 @!p1 $0x0  }
0x19d: {  	s6 =	simm.s32 $0x1;
	p1 =	sgt.f32 s13, s2;
	s4 =	sadd.s32 s7, s4  }
0x19e: {  	s6 =	simm.s32 @!p0 $0x0;
	s7 =	simm.s32 $0x1;
	p0 =	sgt.f32 s14, s2  }
0x19f: {  	s4 =	sadd.s32 s6, s4;
	s7 =	simm.s32 @!p1 $0x0;
	p1 =	sgt.f32 s15, s2  }
0x1a0: {  	s6 =	simm.s32 $0x1;
	s4 =	sadd.s32 s7, s4;
	s3 =	simm.s32 @!p0 $0x0  }
0x1a1: {  	s8 =	simm.s32 @!p2 $0x0;
	s6 =	simm.s32 @!p1 $0x0;
	s3 =	sadd.s32 s3, s4  }
0x1a2: {  	p0 =	sgt.f32 s17, s2;
	p1 =	sgt.f32 s18, s2;
	s3 =	sadd.s32 s6, s3  }
0x1a3: {  	s4 =	simm.s32 $0x1;
	s6 =	simm.s32 $0x1;
	s3 =	sadd.s32 s8, s3  }
0x1a4: {  	s6 =	simm.s32 @!p0 $0x0;
	s8 =	simm.s32 $0x1;
	p0 =	sgt.f32 s19, s2  }
0x1a5: {  	s3 =	sadd.s32 s6, s3;
	s8 =	simm.s32 @!p1 $0x0;
	p1 =	sgt.f32 s20, s2  }
0x1a6: {  	s3 =	sadd.s32 s8, s3;
	s4 =	simm.s32 @!p0 $0x0;
	p0 =	sgt.f32 s21, s2  }
0x1a7: {  	s22 =	sadd.s32 s4, s3;
	s5 =	simm.s32 @!p1 $0x0;
	s3 =	simm.s32 $0x1  }
0x1a8: {  	s2 =	sadd.s32 s5, s22;
	s3 =	simm.s32 @!p0 $0x0  }
0x1a9: {  	s2 =	sadd.s32 s3, s2  }
0x1aa: {  	p0 =	slt.u32 s2, $0x8;
	s2 =	simm.s32 $0x1  }
0x1ab: {  	s2 =	simm.s32 @!p0 $0x0  }
0x1ac: {  	[smem:$0x96] =	sst s2  }
0x1ad: {  	s2 =	sld [smem:$0x17]  }
0x1ae: {  	s23 =	sld [smem:$0x10]  }
0x1af: {  	s24 =	sld [smem:$0x11]  }
0x1b0: {  	s25 =	sld [smem:$0x12]  }
0x1b1: {  	s26 =	sld [smem:$0x13]  }
0x1b2: {  	s28 =	sld [smem:$0x14]  }
0x1b3: {  	s29 =	sld [smem:$0x15]  }
0x1b4: {  	s30 =	sld [smem:$0x16]  }
0x1b5: {  	s31 =	sld [smem:$0x18]  }
0x1b6: {  	s8 =	sld [smem:$0x19]  }
0x1b7: {  	s9 =	sld [smem:$0x1A]  }
0x1b8: {  	s10 =	sld [smem:$0x1B]  }
0x1b9: {  	s11 =	sld [smem:$0x1C]  }
0x1ba: {  	s7 =	simm.s32 $0x1;
	s12 =	sld [smem:$0x1D]  }
0x1bb: {  	s6 =	simm.s32 $0x1;
	s13 =	sld [smem:$0x1E];
	p0 =	sge.f32 s23, s2  }
0x1bc: {  	s4 =	simm.s32 $0x1;
	p1 =	sge.f32 s24, s2;
	p2 =	sge.f32 s25, s2  }
0x1bd: {  	s5 =	simm.s32 $0x1;
	s3 =	simm.s32 $0x1;
	s14 =	sld [smem:$0x1F]  }
0x1be: {  	s4 =	simm.s32 @!p0 $0x0;
	s6 =	simm.s32 @!p1 $0x0;
	s7 =	simm.s32 @!p2 $0x0  }
0x1bf: {  	p0 =	sge.f32 s26, s2;
	p1 =	sge.f32 s28, s2;
	s4 =	sadd.s32 s4, s6  }
0x1c0: {  	p2 =	sgt.f32 s9, s2;
	s6 =	simm.s32 $0x1;
	s4 =	sadd.s32 s7, s4  }
0x1c1: {  	s6 =	simm.s32 @!p0 $0x0;
	s7 =	simm.s32 $0x1;
	p0 =	sge.f32 s29, s2  }
0x1c2: {  	s4 =	sadd.s32 s6, s4;
	s7 =	simm.s32 @!p1 $0x0;
	s6 =	simm.s32 $0x1  }
0x1c3: {  	p1 =	sge.f32 s30, s2;
	s4 =	sadd.s32 s7, s4;
	s6 =	simm.s32 @!p0 $0x0  }
0x1c4: {  	s7 =	simm.s32 $0x1;
	p0 =	sgt.f32 s31, s2;
	s4 =	sadd.s32 s6, s4  }
0x1c5: {  	s7 =	simm.s32 @!p1 $0x0;
	p1 =	sgt.f32 s8, s2;
	s6 =	simm.s32 $0x1  }
0x1c6: {  	s8 =	simm.s32 $0x1;
	s4 =	sadd.s32 s7, s4;
	s3 =	simm.s32 @!p0 $0x0  }
0x1c7: {  	s8 =	simm.s32 @!p2 $0x0;
	s6 =	simm.s32 @!p1 $0x0;
	s3 =	sadd.s32 s3, s4  }
0x1c8: {  	p0 =	sgt.f32 s10, s2;
	p1 =	sgt.f32 s11, s2;
	s3 =	sadd.s32 s6, s3  }
0x1c9: {  	s4 =	simm.s32 $0x1;
	s6 =	simm.s32 $0x1;
	s3 =	sadd.s32 s8, s3  }
0x1ca: {  	s6 =	simm.s32 @!p0 $0x0;
	s8 =	simm.s32 $0x1;
	p0 =	sgt.f32 s12, s2  }
0x1cb: {  	s3 =	sadd.s32 s6, s3;
	s8 =	simm.s32 @!p1 $0x0;
	p1 =	sgt.f32 s13, s2  }
0x1cc: {  	s3 =	sadd.s32 s8, s3;
	s4 =	simm.s32 @!p0 $0x0;
	p0 =	sgt.f32 s14, s2  }
0x1cd: {  	s15 =	sadd.s32 s4, s3;
	s5 =	simm.s32 @!p1 $0x0;
	s3 =	simm.s32 $0x1  }
0x1ce: {  	s2 =	sadd.s32 s5, s15;
	s3 =	simm.s32 @!p0 $0x0  }
0x1cf: {  	s2 =	sadd.s32 s3, s2  }
0x1d0: {  	p0 =	slt.u32 s2, $0x8;
	s2 =	simm.s32 $0x1  }
0x1d1: {  	s2 =	simm.s32 @!p0 $0x0  }
0x1d2: {  	[smem:$0x97] =	sst s2  }
0x1d3: {  	s2 =	sld [smem:$0x18]  }
0x1d4: {  	s16 =	sld [smem:$0x10]  }
0x1d5: {  	s17 =	sld [smem:$0x11]  }
0x1d6: {  	s18 =	sld [smem:$0x12]  }
0x1d7: {  	s19 =	sld [smem:$0x13]  }
0x1d8: {  	s20 =	sld [smem:$0x14]  }
0x1d9: {  	s21 =	sld [smem:$0x15]  }
0x1da: {  	s22 =	sld [smem:$0x16]  }
0x1db: {  	s23 =	sld [smem:$0x17]  }
0x1dc: {  	s24 =	sld [smem:$0x19]  }
0x1dd: {  	s25 =	sld [smem:$0x1A]  }
0x1de: {  	s26 =	sld [smem:$0x1B]  }
0x1df: {  	s7 =	simm.s32 $0x1;
	s6 =	simm.s32 $0x1;
	s28 =	sld [smem:$0x1C]  }
0x1e0: {  	s8 =	simm.s32 $0x1;
	s4 =	simm.s32 $0x1;
	s29 =	sld [smem:$0x1D]  }
0x1e1: {  	s5 =	simm.s32 $0x1;
	p0 =	sge.f32 s16, s2;
	p1 =	sge.f32 s17, s2  }
0x1e2: {  	s3 =	simm.s32 $0x1;
	s30 =	sld [smem:$0x1E];
	p2 =	sge.f32 s18, s2  }
0x1e3: {  	s31 =	sld [smem:$0x1F];
	s4 =	simm.s32 @!p0 $0x0;
	s6 =	simm.s32 @!p1 $0x0  }
0x1e4: {  	s7 =	simm.s32 @!p2 $0x0;
	p0 =	sge.f32 s19, s2;
	p1 =	sge.f32 s20, s2  }
0x1e5: {  	p2 =	sgt.f32 s25, s2;
	s4 =	sadd.s32 s4, s6;
	s6 =	simm.s32 $0x1  }
0x1e6: {  	s4 =	sadd.s32 s7, s4;
	s6 =	simm.s32 @!p0 $0x0;
	s7 =	simm.s32 $0x1  }
0x1e7: {  	p0 =	sge.f32 s21, s2;
	s4 =	sadd.s32 s6, s4;
	s7 =	simm.s32 @!p1 $0x0  }
0x1e8: {  	s6 =	simm.s32 $0x1;
	p1 =	sge.f32 s22, s2;
	s4 =	sadd.s32 s7, s4  }
0x1e9: {  	s6 =	simm.s32 @!p0 $0x0;
	s7 =	simm.s32 $0x1;
	p0 =	sge.f32 s23, s2  }
0x1ea: {  	s4 =	sadd.s32 s6, s4;
	s7 =	simm.s32 @!p1 $0x0;
	p1 =	sgt.f32 s24, s2  }
0x1eb: {  	s6 =	simm.s32 $0x1;
	s4 =	sadd.s32 s7, s4;
	s3 =	simm.s32 @!p0 $0x0  }
0x1ec: {  	s8 =	simm.s32 @!p2 $0x0;
	s6 =	simm.s32 @!p1 $0x0;
	s3 =	sadd.s32 s3, s4  }
0x1ed: {  	p0 =	sgt.f32 s26, s2;
	p1 =	sgt.f32 s28, s2;
	s3 =	sadd.s32 s6, s3  }
0x1ee: {  	s4 =	simm.s32 $0x1;
	s6 =	simm.s32 $0x1;
	s3 =	sadd.s32 s8, s3  }
0x1ef: {  	s6 =	simm.s32 @!p0 $0x0;
	s8 =	simm.s32 $0x1;
	p0 =	sgt.f32 s29, s2  }
0x1f0: {  	s3 =	sadd.s32 s6, s3;
	s8 =	simm.s32 @!p1 $0x0;
	p1 =	sgt.f32 s30, s2  }
0x1f1: {  	s3 =	sadd.s32 s8, s3;
	s4 =	simm.s32 @!p0 $0x0;
	p0 =	sgt.f32 s31, s2  }
0x1f2: {  	s6 =	sadd.s32 s4, s3;
	s5 =	simm.s32 @!p1 $0x0;
	s3 =	simm.s32 $0x1  }
0x1f3: {  	s2 =	sadd.s32 s5, s6;
	s3 =	simm.s32 @!p0 $0x0  }
0x1f4: {  	s2 =	sadd.s32 s3, s2  }
0x1f5: {  	p0 =	slt.u32 s2, $0x8;
	s2 =	simm.s32 $0x1  }
0x1f6: {  	s2 =	simm.s32 @!p0 $0x0  }
0x1f7: {  	[smem:$0x98] =	sst s2  }
0x1f8: {  	s2 =	sld [smem:$0x19]  }
0x1f9: {  	s7 =	sld [smem:$0x10]  }
0x1fa: {  	s8 =	sld [smem:$0x11]  }
0x1fb: {  	s9 =	sld [smem:$0x12]  }
0x1fc: {  	s10 =	sld [smem:$0x13]  }
0x1fd: {  	s11 =	sld [smem:$0x14]  }
0x1fe: {  	s12 =	sld [smem:$0x15]  }
0x1ff: {  	s13 =	sld [smem:$0x16]  }
0x200: {  	s14 =	sld [smem:$0x17]  }
0x201: {  	s15 =	sld [smem:$0x18]  }
0x202: {  	s16 =	sld [smem:$0x1A]  }
0x203: {  	s17 =	sld [smem:$0x1B]  }
0x204: {  	s18 =	sld [smem:$0x1C]  }
0x205: {  	s4 =	simm.s32 $0x1;
	s19 =	sld [smem:$0x1D]  }
0x206: {  	s6 =	simm.s32 $0x1;
	s5 =	simm.s32 $0x1;
	s20 =	sld [smem:$0x1E]  }
0x207: {  	s3 =	simm.s32 $0x1;
	p0 =	sge.f32 s7, s2;
	p1 =	sge.f32 s8, s2  }
0x208: {  	s21 =	sld [smem:$0x1F];
	p2 =	sge.f32 s9, s2;
	s7 =	simm.s32 $0x1  }
0x209: {  	s8 =	simm.s32 $0x1;
	s4 =	simm.s32 @!p0 $0x0;
	s6 =	simm.s32 @!p1 $0x0  }
0x20a: {  	s7 =	simm.s32 @!p2 $0x0;
	p0 =	sge.f32 s10, s2;
	p1 =	sge.f32 s11, s2  }
0x20b: {  	p2 =	sgt.f32 s16, s2;
	s4 =	sadd.s32 s4, s6;
	s6 =	simm.s32 $0x1  }
0x20c: {  	s4 =	sadd.s32 s7, s4;
	s6 =	simm.s32 @!p0 $0x0;
	s7 =	simm.s32 $0x1  }
0x20d: {  	p0 =	sge.f32 s12, s2;
	s4 =	sadd.s32 s6, s4;
	s7 =	simm.s32 @!p1 $0x0  }
0x20e: {  	s6 =	simm.s32 $0x1;
	p1 =	sge.f32 s13, s2;
	s4 =	sadd.s32 s7, s4  }
0x20f: {  	s6 =	simm.s32 @!p0 $0x0;
	s7 =	simm.s32 $0x1;
	p0 =	sge.f32 s14, s2  }
0x210: {  	s4 =	sadd.s32 s6, s4;
	s7 =	simm.s32 @!p1 $0x0;
	p1 =	sge.f32 s15, s2  }
0x211: {  	s6 =	simm.s32 $0x1;
	s4 =	sadd.s32 s7, s4;
	s3 =	simm.s32 @!p0 $0x0  }
0x212: {  	s8 =	simm.s32 @!p2 $0x0;
	s6 =	simm.s32 @!p1 $0x0;
	s3 =	sadd.s32 s3, s4  }
0x213: {  	p0 =	sgt.f32 s17, s2;
	p1 =	sgt.f32 s18, s2;
	s3 =	sadd.s32 s6, s3  }
0x214: {  	s4 =	simm.s32 $0x1;
	s6 =	simm.s32 $0x1;
	s3 =	sadd.s32 s8, s3  }
0x215: {  	s6 =	simm.s32 @!p0 $0x0;
	s8 =	simm.s32 $0x1;
	p0 =	sgt.f32 s19, s2  }
0x216: {  	s3 =	sadd.s32 s6, s3;
	s8 =	simm.s32 @!p1 $0x0;
	p1 =	sgt.f32 s20, s2  }
0x217: {  	s3 =	sadd.s32 s8, s3;
	s4 =	simm.s32 @!p0 $0x0;
	p0 =	sgt.f32 s21, s2  }
0x218: {  	s22 =	sadd.s32 s4, s3;
	s5 =	simm.s32 @!p1 $0x0;
	s3 =	simm.s32 $0x1  }
0x219: {  	s2 =	sadd.s32 s5, s22;
	s3 =	simm.s32 @!p0 $0x0  }
0x21a: {  	s2 =	sadd.s32 s3, s2  }
0x21b: {  	p0 =	slt.u32 s2, $0x8;
	s2 =	simm.s32 $0x1  }
0x21c: {  	s2 =	simm.s32 @!p0 $0x0  }
0x21d: {  	[smem:$0x99] =	sst s2  }
0x21e: {  	s2 =	sld [smem:$0x1A]  }
0x21f: {  	s23 =	sld [smem:$0x10]  }
0x220: {  	s24 =	sld [smem:$0x11]  }
0x221: {  	s25 =	sld [smem:$0x12]  }
0x222: {  	s26 =	sld [smem:$0x13]  }
0x223: {  	s28 =	sld [smem:$0x14]  }
0x224: {  	s29 =	sld [smem:$0x15]  }
0x225: {  	s30 =	sld [smem:$0x16]  }
0x226: {  	s31 =	sld [smem:$0x17]  }
0x227: {  	s8 =	sld [smem:$0x18]  }
0x228: {  	s9 =	sld [smem:$0x19]  }
0x229: {  	s10 =	sld [smem:$0x1B]  }
0x22a: {  	s11 =	sld [smem:$0x1C]  }
0x22b: {  	s7 =	simm.s32 $0x1;
	s12 =	sld [smem:$0x1D]  }
0x22c: {  	s6 =	simm.s32 $0x1;
	s13 =	sld [smem:$0x1E];
	p0 =	sge.f32 s23, s2  }
0x22d: {  	s4 =	simm.s32 $0x1;
	p1 =	sge.f32 s24, s2;
	p2 =	sge.f32 s25, s2  }
0x22e: {  	s5 =	simm.s32 $0x1;
	s3 =	simm.s32 $0x1;
	s14 =	sld [smem:$0x1F]  }
0x22f: {  	s4 =	simm.s32 @!p0 $0x0;
	s6 =	simm.s32 @!p1 $0x0;
	s7 =	simm.s32 @!p2 $0x0  }
0x230: {  	p0 =	sge.f32 s26, s2;
	p1 =	sge.f32 s28, s2;
	s4 =	sadd.s32 s4, s6  }
0x231: {  	p2 =	sge.f32 s9, s2;
	s6 =	simm.s32 $0x1;
	s4 =	sadd.s32 s7, s4  }
0x232: {  	s6 =	simm.s32 @!p0 $0x0;
	s7 =	simm.s32 $0x1;
	p0 =	sge.f32 s29, s2  }
0x233: {  	s4 =	sadd.s32 s6, s4;
	s7 =	simm.s32 @!p1 $0x0;
	s6 =	simm.s32 $0x1  }
0x234: {  	p1 =	sge.f32 s30, s2;
	s4 =	sadd.s32 s7, s4;
	s6 =	simm.s32 @!p0 $0x0  }
0x235: {  	s7 =	simm.s32 $0x1;
	p0 =	sge.f32 s31, s2;
	s4 =	sadd.s32 s6, s4  }
0x236: {  	s7 =	simm.s32 @!p1 $0x0;
	p1 =	sge.f32 s8, s2;
	s6 =	simm.s32 $0x1  }
0x237: {  	s8 =	simm.s32 $0x1;
	s4 =	sadd.s32 s7, s4;
	s3 =	simm.s32 @!p0 $0x0  }
0x238: {  	s8 =	simm.s32 @!p2 $0x0;
	s6 =	simm.s32 @!p1 $0x0;
	s3 =	sadd.s32 s3, s4  }
0x239: {  	p0 =	sgt.f32 s10, s2;
	p1 =	sgt.f32 s11, s2;
	s3 =	sadd.s32 s6, s3  }
0x23a: {  	s4 =	simm.s32 $0x1;
	s6 =	simm.s32 $0x1;
	s3 =	sadd.s32 s8, s3  }
0x23b: {  	s6 =	simm.s32 @!p0 $0x0;
	s8 =	simm.s32 $0x1;
	p0 =	sgt.f32 s12, s2  }
0x23c: {  	s3 =	sadd.s32 s6, s3;
	s8 =	simm.s32 @!p1 $0x0;
	p1 =	sgt.f32 s13, s2  }
0x23d: {  	s3 =	sadd.s32 s8, s3;
	s4 =	simm.s32 @!p0 $0x0;
	p0 =	sgt.f32 s14, s2  }
0x23e: {  	s15 =	sadd.s32 s4, s3;
	s5 =	simm.s32 @!p1 $0x0;
	s3 =	simm.s32 $0x1  }
0x23f: {  	s2 =	sadd.s32 s5, s15;
	s3 =	simm.s32 @!p0 $0x0  }
0x240: {  	s2 =	sadd.s32 s3, s2  }
0x241: {  	p0 =	slt.u32 s2, $0x8;
	s2 =	simm.s32 $0x1  }
0x242: {  	s2 =	simm.s32 @!p0 $0x0  }
0x243: {  	[smem:$0x9A] =	sst s2  }
0x244: {  	s2 =	sld [smem:$0x1B]  }
0x245: {  	s16 =	sld [smem:$0x10]  }
0x246: {  	s17 =	sld [smem:$0x11]  }
0x247: {  	s18 =	sld [smem:$0x12]  }
0x248: {  	s19 =	sld [smem:$0x13]  }
0x249: {  	s20 =	sld [smem:$0x14]  }
0x24a: {  	s21 =	sld [smem:$0x15]  }
0x24b: {  	s22 =	sld [smem:$0x16]  }
0x24c: {  	s23 =	sld [smem:$0x17]  }
0x24d: {  	s24 =	sld [smem:$0x18]  }
0x24e: {  	s25 =	sld [smem:$0x19]  }
0x24f: {  	s26 =	sld [smem:$0x1A]  }
0x250: {  	s7 =	simm.s32 $0x1;
	s6 =	simm.s32 $0x1;
	s28 =	sld [smem:$0x1C]  }
0x251: {  	s8 =	simm.s32 $0x1;
	s4 =	simm.s32 $0x1;
	s29 =	sld [smem:$0x1D]  }
0x252: {  	s5 =	simm.s32 $0x1;
	p0 =	sge.f32 s16, s2;
	p1 =	sge.f32 s17, s2  }
0x253: {  	s3 =	simm.s32 $0x1;
	s30 =	sld [smem:$0x1E];
	p2 =	sge.f32 s18, s2  }
0x254: {  	s31 =	sld [smem:$0x1F];
	s4 =	simm.s32 @!p0 $0x0;
	s6 =	simm.s32 @!p1 $0x0  }
0x255: {  	s7 =	simm.s32 @!p2 $0x0;
	p0 =	sge.f32 s19, s2;
	p1 =	sge.f32 s20, s2  }
0x256: {  	p2 =	sge.f32 s25, s2;
	s4 =	sadd.s32 s4, s6;
	s6 =	simm.s32 $0x1  }
0x257: {  	s4 =	sadd.s32 s7, s4;
	s6 =	simm.s32 @!p0 $0x0;
	s7 =	simm.s32 $0x1  }
0x258: {  	p0 =	sge.f32 s21, s2;
	s4 =	sadd.s32 s6, s4;
	s7 =	simm.s32 @!p1 $0x0  }
0x259: {  	s6 =	simm.s32 $0x1;
	p1 =	sge.f32 s22, s2;
	s4 =	sadd.s32 s7, s4  }
0x25a: {  	s6 =	simm.s32 @!p0 $0x0;
	s7 =	simm.s32 $0x1;
	p0 =	sge.f32 s23, s2  }
0x25b: {  	s4 =	sadd.s32 s6, s4;
	s7 =	simm.s32 @!p1 $0x0;
	p1 =	sge.f32 s24, s2  }
0x25c: {  	s6 =	simm.s32 $0x1;
	s4 =	sadd.s32 s7, s4;
	s3 =	simm.s32 @!p0 $0x0  }
0x25d: {  	s8 =	simm.s32 @!p2 $0x0;
	s6 =	simm.s32 @!p1 $0x0;
	s3 =	sadd.s32 s3, s4  }
0x25e: {  	p0 =	sge.f32 s26, s2;
	p1 =	sgt.f32 s28, s2;
	s3 =	sadd.s32 s6, s3  }
0x25f: {  	s4 =	simm.s32 $0x1;
	s6 =	simm.s32 $0x1;
	s3 =	sadd.s32 s8, s3  }
0x260: {  	s6 =	simm.s32 @!p0 $0x0;
	s8 =	simm.s32 $0x1;
	p0 =	sgt.f32 s29, s2  }
0x261: {  	s3 =	sadd.s32 s6, s3;
	s8 =	simm.s32 @!p1 $0x0;
	p1 =	sgt.f32 s30, s2  }
0x262: {  	s3 =	sadd.s32 s8, s3;
	s4 =	simm.s32 @!p0 $0x0;
	p0 =	sgt.f32 s31, s2  }
0x263: {  	s6 =	sadd.s32 s4, s3;
	s5 =	simm.s32 @!p1 $0x0;
	s3 =	simm.s32 $0x1  }
0x264: {  	s2 =	sadd.s32 s5, s6;
	s3 =	simm.s32 @!p0 $0x0  }
0x265: {  	s2 =	sadd.s32 s3, s2  }
0x266: {  	p0 =	slt.u32 s2, $0x8;
	s2 =	simm.s32 $0x1  }
0x267: {  	s2 =	simm.s32 @!p0 $0x0  }
0x268: {  	[smem:$0x9B] =	sst s2  }
0x269: {  	s2 =	sld [smem:$0x1C]  }
0x26a: {  	s7 =	sld [smem:$0x10]  }
0x26b: {  	s8 =	sld [smem:$0x11]  }
0x26c: {  	s9 =	sld [smem:$0x12]  }
0x26d: {  	s10 =	sld [smem:$0x13]  }
0x26e: {  	s11 =	sld [smem:$0x14]  }
0x26f: {  	s12 =	sld [smem:$0x15]  }
0x270: {  	s13 =	sld [smem:$0x16]  }
0x271: {  	s14 =	sld [smem:$0x17]  }
0x272: {  	s15 =	sld [smem:$0x18]  }
0x273: {  	s16 =	sld [smem:$0x19]  }
0x274: {  	s17 =	sld [smem:$0x1A]  }
0x275: {  	s18 =	sld [smem:$0x1B]  }
0x276: {  	s4 =	simm.s32 $0x1;
	s19 =	sld [smem:$0x1D]  }
0x277: {  	s6 =	simm.s32 $0x1;
	s5 =	simm.s32 $0x1;
	s20 =	sld [smem:$0x1E]  }
0x278: {  	s3 =	simm.s32 $0x1;
	p0 =	sge.f32 s7, s2;
	p1 =	sge.f32 s8, s2  }
0x279: {  	s21 =	sld [smem:$0x1F];
	p2 =	sge.f32 s9, s2;
	s7 =	simm.s32 $0x1  }
0x27a: {  	s8 =	simm.s32 $0x1;
	s4 =	simm.s32 @!p0 $0x0;
	s6 =	simm.s32 @!p1 $0x0  }
0x27b: {  	s7 =	simm.s32 @!p2 $0x0;
	p0 =	sge.f32 s10, s2;
	p1 =	sge.f32 s11, s2  }
0x27c: {  	p2 =	sge.f32 s16, s2;
	s4 =	sadd.s32 s4, s6;
	s6 =	simm.s32 $0x1  }
0x27d: {  	s4 =	sadd.s32 s7, s4;
	s6 =	simm.s32 @!p0 $0x0;
	s7 =	simm.s32 $0x1  }
0x27e: {  	p0 =	sge.f32 s12, s2;
	s4 =	sadd.s32 s6, s4;
	s7 =	simm.s32 @!p1 $0x0  }
0x27f: {  	s6 =	simm.s32 $0x1;
	p1 =	sge.f32 s13, s2;
	s4 =	sadd.s32 s7, s4  }
0x280: {  	s6 =	simm.s32 @!p0 $0x0;
	s7 =	simm.s32 $0x1;
	p0 =	sge.f32 s14, s2  }
0x281: {  	s4 =	sadd.s32 s6, s4;
	s7 =	simm.s32 @!p1 $0x0;
	p1 =	sge.f32 s15, s2  }
0x282: {  	s6 =	simm.s32 $0x1;
	s4 =	sadd.s32 s7, s4;
	s3 =	simm.s32 @!p0 $0x0  }
0x283: {  	s8 =	simm.s32 @!p2 $0x0;
	s6 =	simm.s32 @!p1 $0x0;
	s3 =	sadd.s32 s3, s4  }
0x284: {  	p0 =	sge.f32 s17, s2;
	p1 =	sge.f32 s18, s2;
	s3 =	sadd.s32 s6, s3  }
0x285: {  	s4 =	simm.s32 $0x1;
	s6 =	simm.s32 $0x1;
	s3 =	sadd.s32 s8, s3  }
0x286: {  	s6 =	simm.s32 @!p0 $0x0;
	s8 =	simm.s32 $0x1;
	p0 =	sgt.f32 s19, s2  }
0x287: {  	s3 =	sadd.s32 s6, s3;
	s8 =	simm.s32 @!p1 $0x0;
	p1 =	sgt.f32 s20, s2  }
0x288: {  	s3 =	sadd.s32 s8, s3;
	s4 =	simm.s32 @!p0 $0x0;
	p0 =	sgt.f32 s21, s2  }
0x289: {  	s22 =	sadd.s32 s4, s3;
	s5 =	simm.s32 @!p1 $0x0;
	s3 =	simm.s32 $0x1  }
0x28a: {  	s2 =	sadd.s32 s5, s22;
	s3 =	simm.s32 @!p0 $0x0  }
0x28b: {  	s2 =	sadd.s32 s3, s2  }
0x28c: {  	p0 =	slt.u32 s2, $0x8;
	s2 =	simm.s32 $0x1  }
0x28d: {  	s2 =	simm.s32 @!p0 $0x0  }
0x28e: {  	[smem:$0x9C] =	sst s2  }
0x28f: {  	s2 =	sld [smem:$0x1D]  }
0x290: {  	s23 =	sld [smem:$0x10]  }
0x291: {  	s24 =	sld [smem:$0x11]  }
0x292: {  	s25 =	sld [smem:$0x12]  }
0x293: {  	s26 =	sld [smem:$0x13]  }
0x294: {  	s28 =	sld [smem:$0x14]  }
0x295: {  	s29 =	sld [smem:$0x15]  }
0x296: {  	s30 =	sld [smem:$0x16]  }
0x297: {  	s31 =	sld [smem:$0x17]  }
0x298: {  	s8 =	sld [smem:$0x18]  }
0x299: {  	s9 =	sld [smem:$0x19]  }
0x29a: {  	s10 =	sld [smem:$0x1A]  }
0x29b: {  	s11 =	sld [smem:$0x1B]  }
0x29c: {  	s7 =	simm.s32 $0x1;
	s12 =	sld [smem:$0x1C]  }
0x29d: {  	s6 =	simm.s32 $0x1;
	s13 =	sld [smem:$0x1E];
	p0 =	sge.f32 s23, s2  }
0x29e: {  	s4 =	simm.s32 $0x1;
	p1 =	sge.f32 s24, s2;
	p2 =	sge.f32 s25, s2  }
0x29f: {  	s5 =	simm.s32 $0x1;
	s3 =	simm.s32 $0x1;
	s14 =	sld [smem:$0x1F]  }
0x2a0: {  	s4 =	simm.s32 @!p0 $0x0;
	s6 =	simm.s32 @!p1 $0x0;
	s7 =	simm.s32 @!p2 $0x0  }
0x2a1: {  	p0 =	sge.f32 s26, s2;
	p1 =	sge.f32 s28, s2;
	s4 =	sadd.s32 s4, s6  }
0x2a2: {  	p2 =	sge.f32 s9, s2;
	s6 =	simm.s32 $0x1;
	s4 =	sadd.s32 s7, s4  }
0x2a3: {  	s6 =	simm.s32 @!p0 $0x0;
	s7 =	simm.s32 $0x1;
	p0 =	sge.f32 s29, s2  }
0x2a4: {  	s4 =	sadd.s32 s6, s4;
	s7 =	simm.s32 @!p1 $0x0;
	s6 =	simm.s32 $0x1  }
0x2a5: {  	p1 =	sge.f32 s30, s2;
	s4 =	sadd.s32 s7, s4;
	s6 =	simm.s32 @!p0 $0x0  }
0x2a6: {  	s7 =	simm.s32 $0x1;
	p0 =	sge.f32 s31, s2;
	s4 =	sadd.s32 s6, s4  }
0x2a7: {  	s7 =	simm.s32 @!p1 $0x0;
	p1 =	sge.f32 s8, s2;
	s6 =	simm.s32 $0x1  }
0x2a8: {  	s8 =	simm.s32 $0x1;
	s4 =	sadd.s32 s7, s4;
	s3 =	simm.s32 @!p0 $0x0  }
0x2a9: {  	s8 =	simm.s32 @!p2 $0x0;
	s6 =	simm.s32 @!p1 $0x0;
	s3 =	sadd.s32 s3, s4  }
0x2aa: {  	p0 =	sge.f32 s10, s2;
	p1 =	sge.f32 s11, s2;
	s3 =	sadd.s32 s6, s3  }
0x2ab: {  	s4 =	simm.s32 $0x1;
	s6 =	simm.s32 $0x1;
	s3 =	sadd.s32 s8, s3  }
0x2ac: {  	s6 =	simm.s32 @!p0 $0x0;
	s8 =	simm.s32 $0x1;
	p0 =	sge.f32 s12, s2  }
0x2ad: {  	s3 =	sadd.s32 s6, s3;
	s8 =	simm.s32 @!p1 $0x0;
	p1 =	sgt.f32 s13, s2  }
0x2ae: {  	s3 =	sadd.s32 s8, s3;
	s4 =	simm.s32 @!p0 $0x0;
	p0 =	sgt.f32 s14, s2  }
0x2af: {  	s15 =	sadd.s32 s4, s3;
	s5 =	simm.s32 @!p1 $0x0;
	s3 =	simm.s32 $0x1  }
0x2b0: {  	s2 =	sadd.s32 s5, s15;
	s3 =	simm.s32 @!p0 $0x0  }
0x2b1: {  	s2 =	sadd.s32 s3, s2  }
0x2b2: {  	p0 =	slt.u32 s2, $0x8;
	s2 =	simm.s32 $0x1  }
0x2b3: {  	s2 =	simm.s32 @!p0 $0x0  }
0x2b4: {  	[smem:$0x9D] =	sst s2  }
0x2b5: {  	s2 =	sld [smem:$0x1E]  }
0x2b6: {  	s16 =	sld [smem:$0x10]  }
0x2b7: {  	s17 =	sld [smem:$0x11]  }
0x2b8: {  	s18 =	sld [smem:$0x12]  }
0x2b9: {  	s19 =	sld [smem:$0x13]  }
0x2ba: {  	s20 =	sld [smem:$0x14]  }
0x2bb: {  	s21 =	sld [smem:$0x15]  }
0x2bc: {  	s22 =	sld [smem:$0x16]  }
0x2bd: {  	s23 =	sld [smem:$0x17]  }
0x2be: {  	s24 =	sld [smem:$0x18]  }
0x2bf: {  	s25 =	sld [smem:$0x19]  }
0x2c0: {  	s26 =	sld [smem:$0x1A]  }
0x2c1: {  	s7 =	simm.s32 $0x1;
	s6 =	simm.s32 $0x1;
	s28 =	sld [smem:$0x1B]  }
0x2c2: {  	s8 =	simm.s32 $0x1;
	s4 =	simm.s32 $0x1;
	s29 =	sld [smem:$0x1C]  }
0x2c3: {  	s5 =	simm.s32 $0x1;
	p0 =	sge.f32 s16, s2;
	p1 =	sge.f32 s17, s2  }
0x2c4: {  	s3 =	simm.s32 $0x1;
	s30 =	sld [smem:$0x1D];
	p2 =	sge.f32 s18, s2  }
0x2c5: {  	s31 =	sld [smem:$0x1F];
	s4 =	simm.s32 @!p0 $0x0;
	s6 =	simm.s32 @!p1 $0x0  }
0x2c6: {  	s7 =	simm.s32 @!p2 $0x0;
	p0 =	sge.f32 s19, s2;
	p1 =	sge.f32 s20, s2  }
0x2c7: {  	p2 =	sge.f32 s25, s2;
	s4 =	sadd.s32 s4, s6;
	s6 =	simm.s32 $0x1  }
0x2c8: {  	s4 =	sadd.s32 s7, s4;
	s6 =	simm.s32 @!p0 $0x0;
	s7 =	simm.s32 $0x1  }
0x2c9: {  	p0 =	sge.f32 s21, s2;
	s4 =	sadd.s32 s6, s4;
	s7 =	simm.s32 @!p1 $0x0  }
0x2ca: {  	s6 =	simm.s32 $0x1;
	p1 =	sge.f32 s22, s2;
	s4 =	sadd.s32 s7, s4  }
0x2cb: {  	s6 =	simm.s32 @!p0 $0x0;
	s7 =	simm.s32 $0x1;
	p0 =	sge.f32 s23, s2  }
0x2cc: {  	s4 =	sadd.s32 s6, s4;
	s7 =	simm.s32 @!p1 $0x0;
	p1 =	sge.f32 s24, s2  }
0x2cd: {  	s6 =	simm.s32 $0x1;
	s4 =	sadd.s32 s7, s4;
	s3 =	simm.s32 @!p0 $0x0  }
0x2ce: {  	s8 =	simm.s32 @!p2 $0x0;
	s6 =	simm.s32 @!p1 $0x0;
	s3 =	sadd.s32 s3, s4  }
0x2cf: {  	p0 =	sge.f32 s26, s2;
	p1 =	sge.f32 s28, s2;
	s3 =	sadd.s32 s6, s3  }
0x2d0: {  	s4 =	simm.s32 $0x1;
	s6 =	simm.s32 $0x1;
	s3 =	sadd.s32 s8, s3  }
0x2d1: {  	s6 =	simm.s32 @!p0 $0x0;
	s8 =	simm.s32 $0x1;
	p0 =	sge.f32 s29, s2  }
0x2d2: {  	s3 =	sadd.s32 s6, s3;
	s8 =	simm.s32 @!p1 $0x0;
	p1 =	sge.f32 s30, s2  }
0x2d3: {  	s3 =	sadd.s32 s8, s3;
	s4 =	simm.s32 @!p0 $0x0;
	p0 =	sgt.f32 s31, s2  }
0x2d4: {  	s9 =	sadd.s32 s4, s3;
	s5 =	simm.s32 @!p1 $0x0;
	s3 =	simm.s32 $0x1  }
0x2d5: {  	s2 =	sadd.s32 s5, s9;
	s3 =	simm.s32 @!p0 $0x0  }
0x2d6: {  	s2 =	sadd.s32 s3, s2  }
0x2d7: {  	p0 =	slt.u32 s2, $0x8;
	s2 =	simm.s32 $0x1  }
0x2d8: {  	s2 =	simm.s32 @!p0 $0x0  }
0x2d9: {  	[smem:$0x9E] =	sst s2  }
0x2da: {  	s2 =	sld [smem:$0x1F]  }
0x2db: {  	s10 =	sld [smem:$0x10]  }
0x2dc: {  	s11 =	sld [smem:$0x11]  }
0x2dd: {  	s12 =	sld [smem:$0x12]  }
0x2de: {  	s13 =	sld [smem:$0x13]  }
0x2df: {  	s14 =	sld [smem:$0x14]  }
0x2e0: {  	s15 =	sld [smem:$0x15]  }
0x2e1: {  	s16 =	sld [smem:$0x16]  }
0x2e2: {  	s17 =	sld [smem:$0x17]  }
0x2e3: {  	s18 =	sld [smem:$0x18]  }
0x2e4: {  	s19 =	sld [smem:$0x19]  }
0x2e5: {  	s20 =	sld [smem:$0x1A]  }
0x2e6: {  	s21 =	sld [smem:$0x1B]  }
0x2e7: {  	s7 =	simm.s32 $0x1;
	s22 =	sld [smem:$0x1C]  }
0x2e8: {  	s6 =	simm.s32 $0x1;
	s8 =	simm.s32 $0x1;
	s23 =	sld [smem:$0x1D]  }
0x2e9: {  	s4 =	simm.s32 $0x1;
	p0 =	sge.f32 s10, s2;
	p1 =	sge.f32 s11, s2  }
0x2ea: {  	s9 =	simm.s32 $0x1;
	s24 =	sld [smem:$0x1E];
	p2 =	sge.f32 s12, s2  }
0x2eb: {  	s6 =	simm.s32 @!p0 $0x0;
	s7 =	simm.s32 @!p1 $0x0;
	p0 =	sge.f32 s13, s2  }
0x2ec: {  	s8 =	simm.s32 @!p2 $0x0;
	p1 =	sge.f32 s14, s2;
	p2 =	sge.f32 s15, s2  }
0x2ed: {  	s10 =	simm.s32 $0x1;
	s6 =	sadd.s32 s6, s7;
	s7 =	simm.s32 $0x1  }
0x2ee: {  	s4 =	simm.s32 @!p0 $0x0;
	s9 =	simm.s32 @!p1 $0x0;
	s10 =	simm.s32 @!p2 $0x0  }
0x2ef: {  	p0 =	sge.f32 s16, s2;
	s6 =	sadd.s32 s8, s6;
	p1 =	sge.f32 s17, s2  }
0x2f0: {  	s8 =	simm.s32 $0x1;
	s4 =	sadd.s32 s4, s6;
	s6 =	simm.s32 $0x1  }
0x2f1: {  	s4 =	sadd.s32 s9, s4;
	s6 =	simm.s32 @!p0 $0x0;
	p0 =	sge.f32 s18, s2  }
0x2f2: {  	s7 =	simm.s32 @!p1 $0x0;
	p1 =	sge.f32 s19, s2;
	s4 =	sadd.s32 s10, s4  }
0x2f3: {  	s4 =	sadd.s32 s6, s4;
	s8 =	simm.s32 @!p0 $0x0;
	s6 =	simm.s32 $0x1  }
0x2f4: {  	p0 =	sge.f32 s20, s2;
	s4 =	sadd.s32 s7, s4;
	s6 =	simm.s32 @!p1 $0x0  }
0x2f5: {  	p1 =	sge.f32 s21, s2;
	s4 =	sadd.s32 s8, s4;
	s8 =	simm.s32 $0x1  }
0x2f6: {  	s4 =	sadd.s32 s6, s4;
	s8 =	simm.s32 @!p0 $0x0;
	s6 =	simm.s32 $0x1  }
0x2f7: {  	p0 =	sge.f32 s22, s2;
	s4 =	sadd.s32 s8, s4;
	s6 =	simm.s32 @!p1 $0x0  }
0x2f8: {  	p1 =	sge.f32 s23, s2;
	s4 =	sadd.s32 s6, s4;
	s6 =	simm.s32 $0x1  }
0x2f9: {  	s3 =	simm.s32 $0x1;
	s6 =	simm.s32 @!p0 $0x0;
	p0 =	sge.f32 s24, s2  }
0x2fa: {  	s3 =	simm.s32 @!p1 $0x0;
	s25 =	sadd.s32 s6, s4;
	s4 =	simm.s32 $0x1  }
0x2fb: {  	s2 =	sadd.s32 s3, s25;
	s4 =	simm.s32 @!p0 $0x0  }
0x2fc: {  	s2 =	sadd.s32 s4, s2  }
0x2fd: {  	s3 =	simm.s32 $0x1;
	p0 =	slt.u32 s2, $0x8  }
0x2fe: {  	s3 =	simm.s32 @!p0 $0x0  }
0x2ff: {  	s1 =	sadd.s32 $0x1A00, s1;
	s26 =	simm.s32 $0x90;
	[smem:$0x9F] =	sst s3  }
0x300: {  	[hbm:s1], [sflag:s0] =	dma.local [smem:s26], $0x10  }
0x301: {  	_ =	swait.ge [sflag:s0], $0x10  }
0x302: {  	[sflag:s0] =	ssyncset.done $0x0  }
0x303: {  	[sflag:s0] =	ssyncadd.s32 $0xFFFFFFF0  }
0x304: {  	_ =	strace $0x90000046  }
0x305: {  	_ =	sfence  }
0x306: {  	s28 =	sld [smem:$0x0];
	_ =	sdelay $0x1  }
0x307: {  	s29 =	srdreg.scid  }
0x308: {  	s30 =	sshll.u32 s29, $0xD;
	s31 =	sshrl.u32 s29, $0x2  }
0x309: {  	s2 =	sand.u32 $0x4000, s30;
	s1 =	sand.u32 $0x1, s29;
	s0 =	sadd.s32 s31, s28  }
0x30a: {  	s1 =	sor.u32 s2, s1;
	s0 =	sshll.u32 s0, $0x11  }
0x30b: {  	s0 =	sor.u32 s0, s1  }
0x30c: {  	s0 =	sadd.s32 $0x8F2B, s0;
	(pc) =	sbr.abs _section_cstart, $3  }
0x30d: {  	[sflag:s0] =	ssyncadd.remote.s32 $0x1  }
0x30e: {  	_ =	strace $0x9FFFFFFF  }
0x30f: {  	(tm) =	ssettm $0x7FFFFFFF  }

</sc_bundles>
